<compile_context>
chip_gen: v7x
topology: tpu7x:2x2x1
jax: 0.10.2.dev20260603
libtpu: 0.0.44.dev20260713+nightly
codegen_flags: <defaults>
</compile_context>

<pallas_src>
import jax
import jax.numpy as jnp
from jax import lax
from jax.experimental import pallas as pl
from jax.experimental.pallas import tpu as pltpu
from jax.experimental.pallas import tpu_sc as plsc

RADIUS = 0.2
NSAMPLE = 32

B = 2
N = 8192
S = 1024
C = 64

NUM_TILES = 16
CPT = S // NUM_TILES
LANES = 16
KCHUNK = 8
STEP = KCHUNK * LANES
NSTEP = N // STEP
CH_PER_TILE = C // NUM_TILES
SCHUNK = 128
NSCHUNK = S // SCHUNK
BUFSZ = NSAMPLE + STEP + LANES


def _body(xyz_hbm, cen_hbm, feat_hbm, out_hbm,
          pts_v, cen_v, buf_v, idxstage_v, idx_sh, idx_v, feat_v, stage_v,
          feat_sem):
    b = lax.axis_index("c")
    t = lax.axis_index("s")
    r2 = RADIUS * RADIUS

    feat_copies = []
    for q in range(CH_PER_TILE):
        ch = t * CH_PER_TILE + q
        feat_copies.append(pltpu.async_copy(
            feat_hbm.at[b, ch], feat_v.at[pl.ds(q * N, N)], feat_sem))

    pltpu.sync_copy(xyz_hbm.at[b], pts_v)
    pltpu.sync_copy(cen_hbm.at[b], cen_v)

    lane = lax.iota(jnp.int32, LANES)

    def center_body(ci, _):
        s = t * CPT + ci
        sv = jnp.full((LANES,), s, jnp.int32)
        cx = plsc.load_gather(cen_v, [sv])
        cy = plsc.load_gather(cen_v, [sv + S])
        cz = plsc.load_gather(cen_v, [sv + 2 * S])

        def dist_mask(base):
            xs = pts_v[pl.ds(base, LANES)]
            ys = pts_v[pl.ds(base + N, LANES)]
            zs = pts_v[pl.ds(base + 2 * N, LANES)]
            dx = xs - cx
            dy = ys - cy
            dz = zs - cz
            return dx * dx + dy * dy + dz * dz <= r2

        def cond(carry):
            i, count = carry
            return jnp.logical_and(i < NSTEP, count < NSAMPLE)

        def body(carry):
            i, count = carry
            base = pl.multiple_of(i * STEP, STEP)
            ms = [dist_mask(base + c * LANES) for c in range(KCHUNK)]
            cs = [plsc.all_reduce_population_count(m)[0] for m in ms]
            off = count
            for c in range(KCHUNK):
                plsc.store_compressed(buf_v.at[pl.ds(off, LANES)],
                                      lane + (base + c * LANES), mask=ms[c])
                off = off + cs[c]
            return i + 1, off

        _, count = lax.while_loop(cond, body, (jnp.int32(0), jnp.int32(0)))

        first = plsc.load_gather(buf_v, [jnp.zeros((LANES,), jnp.int32)])
        fill = jnp.where(
            jnp.full((LANES,), count) == 0,
            jnp.full((LANES,), N - 1, jnp.int32), first)
        for j in range(NSAMPLE // LANES):
            pos = lane + j * LANES
            cur = buf_v[pl.ds(j * LANES, LANES)]
            res = jnp.where(pos < jnp.full((LANES,), count), cur, fill)
            idxstage_v[pl.ds(ci * NSAMPLE + j * LANES, LANES)] = res
        return 0

    lax.fori_loop(0, CPT, center_body, 0)

    pltpu.sync_copy(idxstage_v, idx_sh.at[pl.ds(t * CPT * NSAMPLE,
                                                CPT * NSAMPLE)])
    plsc.subcore_barrier()
    pltpu.sync_copy(idx_sh, idx_v)

    @plsc.parallel_loop(0, CPT, unroll=4)
    def xyz_body(ci):
        s = t * CPT + ci
        sv = jnp.full((LANES,), s, jnp.int32)
        cens = [plsc.load_gather(cen_v, [sv + d * S]) for d in range(3)]
        for j in range(NSAMPLE // LANES):
            idxv = idxstage_v[pl.ds(ci * NSAMPLE + j * LANES, LANES)]
            for d in range(3):
                vals = plsc.load_gather(pts_v, [idxv + d * N]) - cens[d]
                stage_v[pl.ds(d * CPT * NSAMPLE + ci * NSAMPLE + j * LANES,
                              LANES)] = vals
    for d in range(3):
        pltpu.sync_copy(
            stage_v.at[pl.ds(d * CPT * NSAMPLE, CPT * NSAMPLE)],
            out_hbm.at[b, d, pl.ds(t * CPT * NSAMPLE, CPT * NSAMPLE)])

    for cp in feat_copies:
        cp.wait()

    def chunk_body(k, _):
        @plsc.parallel_loop(0, SCHUNK, unroll=4)
        def cbody(ci):
            s = k * SCHUNK + ci
            for j in range(NSAMPLE // LANES):
                idxv = idx_v[pl.ds(s * NSAMPLE + j * LANES, LANES)]
                for q in range(CH_PER_TILE):
                    vals = plsc.load_gather(feat_v, [idxv + q * N])
                    stage_v[pl.ds(q * SCHUNK * NSAMPLE + ci * NSAMPLE
                                  + j * LANES, LANES)] = vals
        for q in range(CH_PER_TILE):
            ch = t * CH_PER_TILE + q
            pltpu.sync_copy(
                stage_v.at[pl.ds(q * SCHUNK * NSAMPLE, SCHUNK * NSAMPLE)],
                out_hbm.at[b, 3 + ch, pl.ds(k * SCHUNK * NSAMPLE,
                                            SCHUNK * NSAMPLE)])
        return 0

    lax.fori_loop(0, NSCHUNK, chunk_body, 0)


@jax.jit
def kernel(xyz, center_xyz, features):
    xyz_t = jnp.transpose(xyz, (0, 2, 1)).reshape(B, 3 * N)
    cen_t = jnp.transpose(center_xyz, (0, 2, 1)).reshape(B, 3 * S)

    mesh = plsc.VectorSubcoreMesh(core_axis_name="c", subcore_axis_name="s",
                                  num_cores=2, num_subcores=NUM_TILES)
    run = pl.kernel(
        _body,
        out_type=jax.ShapeDtypeStruct((B, 3 + C, S * NSAMPLE), jnp.float32),
        mesh=mesh,
        compiler_params=pltpu.CompilerParams(needs_layout_passes=False),
        scratch_types=[
            pltpu.VMEM((3 * N,), jnp.float32),
            pltpu.VMEM((3 * S,), jnp.float32),
            pltpu.VMEM((BUFSZ,), jnp.int32),
            pltpu.VMEM((CPT * NSAMPLE,), jnp.int32),
            pltpu.VMEM_SHARED((S * NSAMPLE,), jnp.int32),
            pltpu.VMEM((S * NSAMPLE,), jnp.int32),
            pltpu.VMEM((CH_PER_TILE * N,), jnp.float32),
            pltpu.VMEM((CH_PER_TILE * SCHUNK * NSAMPLE,),
                       jnp.float32),
            pltpu.SemaphoreType.DMA,
        ],
    )
    out = run(xyz_t, cen_t, features)
    return out.reshape(B, 3 + C, S, NSAMPLE)

# --- scband reference (transcript-rebuilt; emitter-appended) ---
"""Pipeline reference for scband-query-and-group-27341761806520 (READ-ONLY COPY).

The authoritative reference and input builder live on the scoring server;
editing this copy changes nothing except your own understanding.
"""

import jax, jax.numpy as jnp
import numpy as np

RADIUS = 0.2
NSAMPLE = 32


def setup_inputs(seed: int = 0) -> dict:
    key = jax.random.key(seed)
    k1, k2, k3 = jax.random.split(key, 3)
    xyz = jax.random.uniform(k1, (2, 8192, 3), dtype=jnp.float32)
    center_xyz = jax.random.uniform(k2, (2, 1024, 3), dtype=jnp.float32)
    features = jax.random.normal(k3, (2, 64, 8192), dtype=jnp.float32)
    return {"xyz": xyz, "center_xyz": center_xyz, "features": features}


def _ball_query(xyz, center_xyz, radius, nsample):
    # xyz: [B, N, 3], center_xyz: [B, S, 3] -> idx [B, S, nsample] int32
    N = xyz.shape[1]
    diff = center_xyz[:, :, None, :] - xyz[:, None, :, :]
    sqrdists = jnp.sum(diff * diff, axis=-1)  # [B, S, N]
    group_idx = jnp.broadcast_to(jnp.arange(N, dtype=jnp.int32), sqrdists.shape)
    group_idx = jnp.where(sqrdists > radius * radius, N, group_idx)
    group_idx = jnp.sort(group_idx, axis=-1)[:, :, :nsample]
    group_first = group_idx[:, :, :1]
    group_idx = jnp.where(group_idx == N, group_first, group_idx)
    group_idx = jnp.clip(group_idx, 0, N - 1)
    return group_idx


def _group(points, idx):
    # points: [B, C, N], idx: [B, S, ns] -> [B, C, S, ns]
    return jax.vmap(lambda p, i: p[:, i])(points, idx)


def reference(xyz, center_xyz, features):
    idx = _ball_query(xyz, center_xyz, RADIUS, NSAMPLE)
    xyz_trans = jnp.transpose(xyz, (0, 2, 1))  # [B, 3, N]
    grouped_xyz = _group(xyz_trans, idx)  # [B, 3, S, ns]
    grouped_xyz = grouped_xyz - jnp.transpose(center_xyz, (0, 2, 1))[:, :, :, None]
    # normalize_xyz=False, so no division by radius
    grouped_features = _group(features, idx)  # [B, C, S, ns]
    # use_xyz=True
    new_features = jnp.concatenate([grouped_xyz, grouped_features], axis=1)
    return new_features

if __name__ == "__main__":
    import jax
    _d = setup_inputs()
    print(jax.jit(kernel)(*tuple(_d.values())))

</pallas_src>

<mosaic_0001>
#map = affine_map<(d0, d1) -> (0, 0)>
#map1 = affine_map<(d0, d1) -> (0, 0, 0)>
module attributes {stable_mosaic.version = 14 : i64} {
  func.func @_body(%arg0: i32, %arg1: i32, %arg2: memref<2x24576xf32, #tpu.memory_space<hbm>>, %arg3: memref<2x3072xf32, #tpu.memory_space<hbm>>, %arg4: memref<2x64x8192xf32, #tpu.memory_space<hbm>>, %arg5: memref<2x67x32768xf32, #tpu.memory_space<hbm>>, %arg6: memref<24576xf32, #tpu.memory_space<vmem>>, %arg7: memref<3072xf32, #tpu.memory_space<vmem>>, %arg8: memref<176xi32, #tpu.memory_space<vmem>>, %arg9: memref<2048xi32, #tpu.memory_space<vmem>>, %arg10: memref<32768xi32, #tpu.memory_space<vmem_shared>>, %arg11: memref<32768xi32, #tpu.memory_space<vmem>>, %arg12: memref<32768xf32, #tpu.memory_space<vmem>>, %arg13: memref<16384xf32, #tpu.memory_space<vmem>>, %arg14: memref<!tpu.dma_semaphore, #tpu.memory_space<semaphore_mem>>) attributes {dimension_semantics = [#tpu.dimension_semantics<core_parallel>, #tpu.dimension_semantics<subcore_parallel>], iteration_bounds = array<i64: 2, 16>, scalar_prefetch = 0 : i64, scratch_operands = 9 : i64, tpu.core_type = #tpu.core_type<sc_vector_subcore>, window_params = [{transform_indices = #map}, {transform_indices = #map}, {transform_indices = #map1}, {transform_indices = #map1}]} {
    %mul3A = arith.constant 4 : i32
    %mul3A_0 = arith.muli %arg1, %mul3A : i32
    %add3A = arith.constant 0 : i32
    %add3A_1 = arith.addi %mul3A_0, %add3A : i32
    %dma_start3A = arith.constant 0 : i32
    %dma_start3A_2 = tpu.memref_slice %arg12[%dma_start3A] : memref<32768xf32, #tpu.memory_space<vmem>> -> memref<8192xf32, #tpu.memory_space<vmem>>
    %dma_start3A_3 = arith.constant 0 : i32
    %dma_start3A_4 = tpu.memref_slice %arg4[%arg0, %add3A_1, %dma_start3A_3] : memref<2x64x8192xf32, #tpu.memory_space<hbm>> -> memref<1x1x8192xf32, #tpu.memory_space<hbm>>
    %dma_start3A_5 = tpu.memref_squeeze %dma_start3A_4 : memref<1x1x8192xf32, #tpu.memory_space<hbm>> -> memref<8192xf32, #tpu.memory_space<hbm>>
    %dma_start3A_6 = arith.constant 0 : i32
    %dma_start3A_7 = tpu.memref_slice %arg12[%dma_start3A_6] : memref<32768xf32, #tpu.memory_space<vmem>> -> memref<8192xf32, #tpu.memory_space<vmem>>
    %dma_start3A_8 = arith.constant 0 : i32
    %dma_start3A_9 = tpu.memref_slice %arg4[%arg0, %add3A_1, %dma_start3A_8] : memref<2x64x8192xf32, #tpu.memory_space<hbm>> -> memref<1x1x8192xf32, #tpu.memory_space<hbm>>
    %dma_start3A_10 = tpu.memref_squeeze %dma_start3A_9 : memref<1x1x8192xf32, #tpu.memory_space<hbm>> -> memref<8192xf32, #tpu.memory_space<hbm>>
    tpu.enqueue_dma source(%dma_start3A_10 : memref<8192xf32, #tpu.memory_space<hbm>>) target(%dma_start3A_7 : memref<8192xf32, #tpu.memory_space<vmem>>) target_semaphore(%arg14 : memref<!tpu.dma_semaphore, #tpu.memory_space<semaphore_mem>>)
    %mul3A_11 = arith.constant 4 : i32
    %mul3A_12 = arith.muli %arg1, %mul3A_11 : i32
    %add3A_13 = arith.constant 1 : i32
    %add3A_14 = arith.addi %mul3A_12, %add3A_13 : i32
    %dma_start3A_15 = arith.constant 8192 : i32
    %dma_start3A_16 = tpu.memref_slice %arg12[%dma_start3A_15] : memref<32768xf32, #tpu.memory_space<vmem>> -> memref<8192xf32, #tpu.memory_space<vmem>>
    %dma_start3A_17 = arith.constant 0 : i32
    %dma_start3A_18 = tpu.memref_slice %arg4[%arg0, %add3A_14, %dma_start3A_17] : memref<2x64x8192xf32, #tpu.memory_space<hbm>> -> memref<1x1x8192xf32, #tpu.memory_space<hbm>>
    %dma_start3A_19 = tpu.memref_squeeze %dma_start3A_18 : memref<1x1x8192xf32, #tpu.memory_space<hbm>> -> memref<8192xf32, #tpu.memory_space<hbm>>
    %dma_start3A_20 = arith.constant 8192 : i32
    %dma_start3A_21 = tpu.memref_slice %arg12[%dma_start3A_20] : memref<32768xf32, #tpu.memory_space<vmem>> -> memref<8192xf32, #tpu.memory_space<vmem>>
    %dma_start3A_22 = arith.constant 0 : i32
    %dma_start3A_23 = tpu.memref_slice %arg4[%arg0, %add3A_14, %dma_start3A_22] : memref<2x64x8192xf32, #tpu.memory_space<hbm>> -> memref<1x1x8192xf32, #tpu.memory_space<hbm>>
    %dma_start3A_24 = tpu.memref_squeeze %dma_start3A_23 : memref<1x1x8192xf32, #tpu.memory_space<hbm>> -> memref<8192xf32, #tpu.memory_space<hbm>>
    tpu.enqueue_dma source(%dma_start3A_24 : memref<8192xf32, #tpu.memory_space<hbm>>) target(%dma_start3A_21 : memref<8192xf32, #tpu.memory_space<vmem>>) target_semaphore(%arg14 : memref<!tpu.dma_semaphore, #tpu.memory_space<semaphore_mem>>)
    %mul3A_25 = arith.constant 4 : i32
    %mul3A_26 = arith.muli %arg1, %mul3A_25 : i32
    %add3A_27 = arith.constant 2 : i32
    %add3A_28 = arith.addi %mul3A_26, %add3A_27 : i32
    %dma_start3A_29 = arith.constant 16384 : i32
    %dma_start3A_30 = tpu.memref_slice %arg12[%dma_start3A_29] : memref<32768xf32, #tpu.memory_space<vmem>> -> memref<8192xf32, #tpu.memory_space<vmem>>
    %dma_start3A_31 = arith.constant 0 : i32
    %dma_start3A_32 = tpu.memref_slice %arg4[%arg0, %add3A_28, %dma_start3A_31] : memref<2x64x8192xf32, #tpu.memory_space<hbm>> -> memref<1x1x8192xf32, #tpu.memory_space<hbm>>
    %dma_start3A_33 = tpu.memref_squeeze %dma_start3A_32 : memref<1x1x8192xf32, #tpu.memory_space<hbm>> -> memref<8192xf32, #tpu.memory_space<hbm>>
    %dma_start3A_34 = arith.constant 16384 : i32
    %dma_start3A_35 = tpu.memref_slice %arg12[%dma_start3A_34] : memref<32768xf32, #tpu.memory_space<vmem>> -> memref<8192xf32, #tpu.memory_space<vmem>>
    %dma_start3A_36 = arith.constant 0 : i32
    %dma_start3A_37 = tpu.memref_slice %arg4[%arg0, %add3A_28, %dma_start3A_36] : memref<2x64x8192xf32, #tpu.memory_space<hbm>> -> memref<1x1x8192xf32, #tpu.memory_space<hbm>>
    %dma_start3A_38 = tpu.memref_squeeze %dma_start3A_37 : memref<1x1x8192xf32, #tpu.memory_space<hbm>> -> memref<8192xf32, #tpu.memory_space<hbm>>
    tpu.enqueue_dma source(%dma_start3A_38 : memref<8192xf32, #tpu.memory_space<hbm>>) target(%dma_start3A_35 : memref<8192xf32, #tpu.memory_space<vmem>>) target_semaphore(%arg14 : memref<!tpu.dma_semaphore, #tpu.memory_space<semaphore_mem>>)
    %mul3A_39 = arith.constant 4 : i32
    %mul3A_40 = arith.muli %arg1, %mul3A_39 : i32
    %add3A_41 = arith.constant 3 : i32
    %add3A_42 = arith.addi %mul3A_40, %add3A_41 : i32
    %dma_start3A_43 = arith.constant 24576 : i32
    %dma_start3A_44 = tpu.memref_slice %arg12[%dma_start3A_43] : memref<32768xf32, #tpu.memory_space<vmem>> -> memref<8192xf32, #tpu.memory_space<vmem>>
    %dma_start3A_45 = arith.constant 0 : i32
    %dma_start3A_46 = tpu.memref_slice %arg4[%arg0, %add3A_42, %dma_start3A_45] : memref<2x64x8192xf32, #tpu.memory_space<hbm>> -> memref<1x1x8192xf32, #tpu.memory_space<hbm>>
    %dma_start3A_47 = tpu.memref_squeeze %dma_start3A_46 : memref<1x1x8192xf32, #tpu.memory_space<hbm>> -> memref<8192xf32, #tpu.memory_space<hbm>>
    %dma_start3A_48 = arith.constant 24576 : i32
    %dma_start3A_49 = tpu.memref_slice %arg12[%dma_start3A_48] : memref<32768xf32, #tpu.memory_space<vmem>> -> memref<8192xf32, #tpu.memory_space<vmem>>
    %dma_start3A_50 = arith.constant 0 : i32
    %dma_start3A_51 = tpu.memref_slice %arg4[%arg0, %add3A_42, %dma_start3A_50] : memref<2x64x8192xf32, #tpu.memory_space<hbm>> -> memref<1x1x8192xf32, #tpu.memory_space<hbm>>
    %dma_start3A_52 = tpu.memref_squeeze %dma_start3A_51 : memref<1x1x8192xf32, #tpu.memory_space<hbm>> -> memref<8192xf32, #tpu.memory_space<hbm>>
    tpu.enqueue_dma source(%dma_start3A_52 : memref<8192xf32, #tpu.memory_space<hbm>>) target(%dma_start3A_49 : memref<8192xf32, #tpu.memory_space<vmem>>) target_semaphore(%arg14 : memref<!tpu.dma_semaphore, #tpu.memory_space<semaphore_mem>>)
    "tpu.region"() ({
      %run_scoped3A_125 = tpu.sem_alloc : memref<!tpu.dma_semaphore, #tpu.memory_space<semaphore_mem>>
      %dma_start3A_126 = arith.constant 0 : i32
      %dma_start3A_127 = tpu.memref_slice %arg2[%arg0, %dma_start3A_126] : memref<2x24576xf32, #tpu.memory_space<hbm>> -> memref<1x24576xf32, #tpu.memory_space<hbm>>
      %dma_start3A_128 = tpu.memref_squeeze %dma_start3A_127 : memref<1x24576xf32, #tpu.memory_space<hbm>> -> memref<24576xf32, #tpu.memory_space<hbm>>
      %dma_start3A_129 = arith.constant 0 : i32
      %dma_start3A_130 = tpu.memref_slice %arg2[%arg0, %dma_start3A_129] : memref<2x24576xf32, #tpu.memory_space<hbm>> -> memref<1x24576xf32, #tpu.memory_space<hbm>>
      %dma_start3A_131 = tpu.memref_squeeze %dma_start3A_130 : memref<1x24576xf32, #tpu.memory_space<hbm>> -> memref<24576xf32, #tpu.memory_space<hbm>>
      tpu.enqueue_dma source(%dma_start3A_131 : memref<24576xf32, #tpu.memory_space<hbm>>) target(%arg6 : memref<24576xf32, #tpu.memory_space<vmem>>) target_semaphore(%run_scoped3A_125 : memref<!tpu.dma_semaphore, #tpu.memory_space<semaphore_mem>>)
      %dma_wait3A_132 = arith.constant 0 : i32
      %dma_wait3A_133 = tpu.memref_slice %arg2[%arg0, %dma_wait3A_132] : memref<2x24576xf32, #tpu.memory_space<hbm>> -> memref<1x24576xf32, #tpu.memory_space<hbm>>
      %dma_wait3A_134 = tpu.memref_squeeze %dma_wait3A_133 : memref<1x24576xf32, #tpu.memory_space<hbm>> -> memref<24576xf32, #tpu.memory_space<hbm>>
      %dma_wait3A_135 = arith.constant 0 : i32
      %dma_wait3A_136 = tpu.memref_slice %arg2[%arg0, %dma_wait3A_135] : memref<2x24576xf32, #tpu.memory_space<hbm>> -> memref<1x24576xf32, #tpu.memory_space<hbm>>
      %dma_wait3A_137 = tpu.memref_squeeze %dma_wait3A_136 : memref<1x24576xf32, #tpu.memory_space<hbm>> -> memref<24576xf32, #tpu.memory_space<hbm>>
      tpu.wait_dma2 semaphore(%run_scoped3A_125 : memref<!tpu.dma_semaphore, #tpu.memory_space<semaphore_mem>>) src(%dma_wait3A_137 : memref<24576xf32, #tpu.memory_space<hbm>>) dst(%arg6 : memref<24576xf32, #tpu.memory_space<vmem>>)
      tpu.yield
    }) : () -> ()
    "tpu.region"() ({
      %run_scoped3A_125 = tpu.sem_alloc : memref<!tpu.dma_semaphore, #tpu.memory_space<semaphore_mem>>
      %dma_start3A_126 = arith.constant 0 : i32
      %dma_start3A_127 = tpu.memref_slice %arg3[%arg0, %dma_start3A_126] : memref<2x3072xf32, #tpu.memory_space<hbm>> -> memref<1x3072xf32, #tpu.memory_space<hbm>>
      %dma_start3A_128 = tpu.memref_squeeze %dma_start3A_127 : memref<1x3072xf32, #tpu.memory_space<hbm>> -> memref<3072xf32, #tpu.memory_space<hbm>>
      %dma_start3A_129 = arith.constant 0 : i32
      %dma_start3A_130 = tpu.memref_slice %arg3[%arg0, %dma_start3A_129] : memref<2x3072xf32, #tpu.memory_space<hbm>> -> memref<1x3072xf32, #tpu.memory_space<hbm>>
      %dma_start3A_131 = tpu.memref_squeeze %dma_start3A_130 : memref<1x3072xf32, #tpu.memory_space<hbm>> -> memref<3072xf32, #tpu.memory_space<hbm>>
      tpu.enqueue_dma source(%dma_start3A_131 : memref<3072xf32, #tpu.memory_space<hbm>>) target(%arg7 : memref<3072xf32, #tpu.memory_space<vmem>>) target_semaphore(%run_scoped3A_125 : memref<!tpu.dma_semaphore, #tpu.memory_space<semaphore_mem>>)
      %dma_wait3A_132 = arith.constant 0 : i32
      %dma_wait3A_133 = tpu.memref_slice %arg3[%arg0, %dma_wait3A_132] : memref<2x3072xf32, #tpu.memory_space<hbm>> -> memref<1x3072xf32, #tpu.memory_space<hbm>>
      %dma_wait3A_134 = tpu.memref_squeeze %dma_wait3A_133 : memref<1x3072xf32, #tpu.memory_space<hbm>> -> memref<3072xf32, #tpu.memory_space<hbm>>
      %dma_wait3A_135 = arith.constant 0 : i32
      %dma_wait3A_136 = tpu.memref_slice %arg3[%arg0, %dma_wait3A_135] : memref<2x3072xf32, #tpu.memory_space<hbm>> -> memref<1x3072xf32, #tpu.memory_space<hbm>>
      %dma_wait3A_137 = tpu.memref_squeeze %dma_wait3A_136 : memref<1x3072xf32, #tpu.memory_space<hbm>> -> memref<3072xf32, #tpu.memory_space<hbm>>
      tpu.wait_dma2 semaphore(%run_scoped3A_125 : memref<!tpu.dma_semaphore, #tpu.memory_space<semaphore_mem>>) src(%dma_wait3A_137 : memref<3072xf32, #tpu.memory_space<hbm>>) dst(%arg7 : memref<3072xf32, #tpu.memory_space<vmem>>)
      tpu.yield
    }) : () -> ()
    %iota3A = tpu.iota {dimensions = array<i32: 0>} : vector<16xi32>
    %scan3A = arith.constant 0 : i32
    %scan3A_53 = arith.constant 0 : i32
    %scan3A_54 = arith.constant 64 : i32
    %scan3A_55 = arith.addi %scan3A_53, %scan3A_54 : i32
    %scan3A_56 = arith.constant 1 : i32
    %scan3A_57 = scf.for %scan3A_125 = %scan3A_53 to %scan3A_55 step %scan3A_56 iter_args(%scan3A_126 = %scan3A) -> (i32)  : i32 {
      %mul3A_127 = arith.constant 64 : i32
      %mul3A_128 = arith.muli %arg1, %mul3A_127 : i32
      %add3A_129 = arith.addi %mul3A_128, %scan3A_125 : i32
      %broadcast_in_dim3A = vector.broadcast %add3A_129 : i32 to vector<16xi32>
      %gather3A = tpu.vector_load_idx %arg7[%broadcast_in_dim3A] : memref<3072xf32, #tpu.memory_space<vmem>>[vector<16xi32>], vector<16xf32>,
      %add3A_130 = arith.constant 1024 : i32
      %add3A_131 = vector.broadcast %add3A_130 : i32 to vector<16xi32>
      %add3A_132 = arith.addi %broadcast_in_dim3A, %add3A_131 : vector<16xi32>
      %gather3A_133 = tpu.vector_load_idx %arg7[%add3A_132] : memref<3072xf32, #tpu.memory_space<vmem>>[vector<16xi32>], vector<16xf32>,
      %add3A_134 = arith.constant 2048 : i32
      %add3A_135 = vector.broadcast %add3A_134 : i32 to vector<16xi32>
      %add3A_136 = arith.addi %broadcast_in_dim3A, %add3A_135 : vector<16xi32>
      %gather3A_137 = tpu.vector_load_idx %arg7[%add3A_136] : memref<3072xf32, #tpu.memory_space<vmem>>[vector<16xi32>], vector<16xf32>,
      %while3A = arith.constant 0 : i32
      %while3A_138 = arith.constant 0 : i32
      %while3A_139:2 = scf.while (%while3A_174 = %while3A, %while3A_175 = %while3A_138) : (i32, i32) -> (i32, i32) {
        %lt3A_176 = arith.constant 64 : i32
        %lt3A_177 = arith.cmpi slt, %while3A_174, %lt3A_176 : i32
        %lt3A_178 = arith.constant 32 : i32
        %lt3A_179 = arith.cmpi slt, %while3A_175, %lt3A_178 : i32
        %and3A = arith.andi %lt3A_177, %lt3A_179 : i1
        scf.condition(%and3A) %while3A_174, %while3A_175 : i32, i32
      } do {
      ^bb0(%while3A_174: i32, %while3A_175: i32):
        %mul3A_176 = arith.constant 128 : i32
        %mul3A_177 = arith.muli %while3A_174, %mul3A_176 : i32
        %multiple_of3A = tpu.assume_multiple %mul3A_177, 128 : i32
        %add3A_178 = arith.constant 0 : i32
        %add3A_179 = arith.addi %multiple_of3A, %add3A_178 : i32
        %get3A_180 = arith.index_cast %add3A_179 : i32 to index
        %get3A_181 = tpu.vector_load %arg6[%get3A_180] {strides = array<i32>} : memref<24576xf32, #tpu.memory_space<vmem>>, vector<16xf32>,
        %add3A_182 = arith.constant 8192 : i32
        %add3A_183 = arith.addi %add3A_179, %add3A_182 : i32
        %get3A_184 = arith.index_cast %add3A_183 : i32 to index
        %get3A_185 = tpu.vector_load %arg6[%get3A_184] {strides = array<i32>} : memref<24576xf32, #tpu.memory_space<vmem>>, vector<16xf32>,
        %add3A_186 = arith.constant 16384 : i32
        %add3A_187 = arith.addi %add3A_179, %add3A_186 : i32
        %get3A_188 = arith.index_cast %add3A_187 : i32 to index
        %get3A_189 = tpu.vector_load %arg6[%get3A_188] {strides = array<i32>} : memref<24576xf32, #tpu.memory_space<vmem>>, vector<16xf32>,
        %sub3A = arith.subf %get3A_181, %gather3A : vector<16xf32>
        %sub3A_190 = arith.subf %get3A_185, %gather3A_133 : vector<16xf32>
        %sub3A_191 = arith.subf %get3A_189, %gather3A_137 : vector<16xf32>
        %mul3A_192 = arith.mulf %sub3A, %sub3A : vector<16xf32>
        %mul3A_193 = arith.mulf %sub3A_190, %sub3A_190 : vector<16xf32>
        %add3A_194 = arith.addf %mul3A_192, %mul3A_193 : vector<16xf32>
        %mul3A_195 = arith.mulf %sub3A_191, %sub3A_191 : vector<16xf32>
        %add3A_196 = arith.addf %add3A_194, %mul3A_195 : vector<16xf32>
        %le3A = arith.constant 4.000000e-02 : f32
        %le3A_197 = vector.broadcast %le3A : f32 to vector<16xf32>
        %le3A_198 = arith.cmpf ole, %add3A_196, %le3A_197 : vector<16xf32>
        %add3A_199 = arith.constant 16 : i32
        %add3A_200 = arith.addi %multiple_of3A, %add3A_199 : i32
        %get3A_201 = arith.index_cast %add3A_200 : i32 to index
        %get3A_202 = tpu.vector_load %arg6[%get3A_201] {strides = array<i32>} : memref<24576xf32, #tpu.memory_space<vmem>>, vector<16xf32>,
        %add3A_203 = arith.constant 8192 : i32
        %add3A_204 = arith.addi %add3A_200, %add3A_203 : i32
        %get3A_205 = arith.index_cast %add3A_204 : i32 to index
        %get3A_206 = tpu.vector_load %arg6[%get3A_205] {strides = array<i32>} : memref<24576xf32, #tpu.memory_space<vmem>>, vector<16xf32>,
        %add3A_207 = arith.constant 16384 : i32
        %add3A_208 = arith.addi %add3A_200, %add3A_207 : i32
        %get3A_209 = arith.index_cast %add3A_208 : i32 to index
        %get3A_210 = tpu.vector_load %arg6[%get3A_209] {strides = array<i32>} : memref<24576xf32, #tpu.memory_space<vmem>>, vector<16xf32>,
        %sub3A_211 = arith.subf %get3A_202, %gather3A : vector<16xf32>
        %sub3A_212 = arith.subf %get3A_206, %gather3A_133 : vector<16xf32>
        %sub3A_213 = arith.subf %get3A_210, %gather3A_137 : vector<16xf32>
        %mul3A_214 = arith.mulf %sub3A_211, %sub3A_211 : vector<16xf32>
        %mul3A_215 = arith.mulf %sub3A_212, %sub3A_212 : vector<16xf32>
        %add3A_216 = arith.addf %mul3A_214, %mul3A_215 : vector<16xf32>
        %mul3A_217 = arith.mulf %sub3A_213, %sub3A_213 : vector<16xf32>
        %add3A_218 = arith.addf %add3A_216, %mul3A_217 : vector<16xf32>
        %le3A_219 = arith.constant 4.000000e-02 : f32
        %le3A_220 = vector.broadcast %le3A_219 : f32 to vector<16xf32>
        %le3A_221 = arith.cmpf ole, %add3A_218, %le3A_220 : vector<16xf32>
        %add3A_222 = arith.constant 32 : i32
        %add3A_223 = arith.addi %multiple_of3A, %add3A_222 : i32
        %get3A_224 = arith.index_cast %add3A_223 : i32 to index
        %get3A_225 = tpu.vector_load %arg6[%get3A_224] {strides = array<i32>} : memref<24576xf32, #tpu.memory_space<vmem>>, vector<16xf32>,
        %add3A_226 = arith.constant 8192 : i32
        %add3A_227 = arith.addi %add3A_223, %add3A_226 : i32
        %get3A_228 = arith.index_cast %add3A_227 : i32 to index
        %get3A_229 = tpu.vector_load %arg6[%get3A_228] {strides = array<i32>} : memref<24576xf32, #tpu.memory_space<vmem>>, vector<16xf32>,
        %add3A_230 = arith.constant 16384 : i32
        %add3A_231 = arith.addi %add3A_223, %add3A_230 : i32
        %get3A_232 = arith.index_cast %add3A_231 : i32 to index
        %get3A_233 = tpu.vector_load %arg6[%get3A_232] {strides = array<i32>} : memref<24576xf32, #tpu.memory_space<vmem>>, vector<16xf32>,
        %sub3A_234 = arith.subf %get3A_225, %gather3A : vector<16xf32>
        %sub3A_235 = arith.subf %get3A_229, %gather3A_133 : vector<16xf32>
        %sub3A_236 = arith.subf %get3A_233, %gather3A_137 : vector<16xf32>
        %mul3A_237 = arith.mulf %sub3A_234, %sub3A_234 : vector<16xf32>
        %mul3A_238 = arith.mulf %sub3A_235, %sub3A_235 : vector<16xf32>
        %add3A_239 = arith.addf %mul3A_237, %mul3A_238 : vector<16xf32>
        %mul3A_240 = arith.mulf %sub3A_236, %sub3A_236 : vector<16xf32>
        %add3A_241 = arith.addf %add3A_239, %mul3A_240 : vector<16xf32>
        %le3A_242 = arith.constant 4.000000e-02 : f32
        %le3A_243 = vector.broadcast %le3A_242 : f32 to vector<16xf32>
        %le3A_244 = arith.cmpf ole, %add3A_241, %le3A_243 : vector<16xf32>
        %add3A_245 = arith.constant 48 : i32
        %add3A_246 = arith.addi %multiple_of3A, %add3A_245 : i32
        %get3A_247 = arith.index_cast %add3A_246 : i32 to index
        %get3A_248 = tpu.vector_load %arg6[%get3A_247] {strides = array<i32>} : memref<24576xf32, #tpu.memory_space<vmem>>, vector<16xf32>,
        %add3A_249 = arith.constant 8192 : i32
        %add3A_250 = arith.addi %add3A_246, %add3A_249 : i32
        %get3A_251 = arith.index_cast %add3A_250 : i32 to index
        %get3A_252 = tpu.vector_load %arg6[%get3A_251] {strides = array<i32>} : memref<24576xf32, #tpu.memory_space<vmem>>, vector<16xf32>,
        %add3A_253 = arith.constant 16384 : i32
        %add3A_254 = arith.addi %add3A_246, %add3A_253 : i32
        %get3A_255 = arith.index_cast %add3A_254 : i32 to index
        %get3A_256 = tpu.vector_load %arg6[%get3A_255] {strides = array<i32>} : memref<24576xf32, #tpu.memory_space<vmem>>, vector<16xf32>,
        %sub3A_257 = arith.subf %get3A_248, %gather3A : vector<16xf32>
        %sub3A_258 = arith.subf %get3A_252, %gather3A_133 : vector<16xf32>
        %sub3A_259 = arith.subf %get3A_256, %gather3A_137 : vector<16xf32>
        %mul3A_260 = arith.mulf %sub3A_257, %sub3A_257 : vector<16xf32>
        %mul3A_261 = arith.mulf %sub3A_258, %sub3A_258 : vector<16xf32>
        %add3A_262 = arith.addf %mul3A_260, %mul3A_261 : vector<16xf32>
        %mul3A_263 = arith.mulf %sub3A_259, %sub3A_259 : vector<16xf32>
        %add3A_264 = arith.addf %add3A_262, %mul3A_263 : vector<16xf32>
        %le3A_265 = arith.constant 4.000000e-02 : f32
        %le3A_266 = vector.broadcast %le3A_265 : f32 to vector<16xf32>
        %le3A_267 = arith.cmpf ole, %add3A_264, %le3A_266 : vector<16xf32>
        %add3A_268 = arith.constant 64 : i32
        %add3A_269 = arith.addi %multiple_of3A, %add3A_268 : i32
        %get3A_270 = arith.index_cast %add3A_269 : i32 to index
        %get3A_271 = tpu.vector_load %arg6[%get3A_270] {strides = array<i32>} : memref<24576xf32, #tpu.memory_space<vmem>>, vector<16xf32>,
        %add3A_272 = arith.constant 8192 : i32
        %add3A_273 = arith.addi %add3A_269, %add3A_272 : i32
        %get3A_274 = arith.index_cast %add3A_273 : i32 to index
        %get3A_275 = tpu.vector_load %arg6[%get3A_274] {strides = array<i32>} : memref<24576xf32, #tpu.memory_space<vmem>>, vector<16xf32>,
        %add3A_276 = arith.constant 16384 : i32
        %add3A_277 = arith.addi %add3A_269, %add3A_276 : i32
        %get3A_278 = arith.index_cast %add3A_277 : i32 to index
        %get3A_279 = tpu.vector_load %arg6[%get3A_278] {strides = array<i32>} : memref<24576xf32, #tpu.memory_space<vmem>>, vector<16xf32>,
        %sub3A_280 = arith.subf %get3A_271, %gather3A : vector<16xf32>
        %sub3A_281 = arith.subf %get3A_275, %gather3A_133 : vector<16xf32>
        %sub3A_282 = arith.subf %get3A_279, %gather3A_137 : vector<16xf32>
        %mul3A_283 = arith.mulf %sub3A_280, %sub3A_280 : vector<16xf32>
        %mul3A_284 = arith.mulf %sub3A_281, %sub3A_281 : vector<16xf32>
        %add3A_285 = arith.addf %mul3A_283, %mul3A_284 : vector<16xf32>
        %mul3A_286 = arith.mulf %sub3A_282, %sub3A_282 : vector<16xf32>
        %add3A_287 = arith.addf %add3A_285, %mul3A_286 : vector<16xf32>
        %le3A_288 = arith.constant 4.000000e-02 : f32
        %le3A_289 = vector.broadcast %le3A_288 : f32 to vector<16xf32>
        %le3A_290 = arith.cmpf ole, %add3A_287, %le3A_289 : vector<16xf32>
        %add3A_291 = arith.constant 80 : i32
        %add3A_292 = arith.addi %multiple_of3A, %add3A_291 : i32
        %get3A_293 = arith.index_cast %add3A_292 : i32 to index
        %get3A_294 = tpu.vector_load %arg6[%get3A_293] {strides = array<i32>} : memref<24576xf32, #tpu.memory_space<vmem>>, vector<16xf32>,
        %add3A_295 = arith.constant 8192 : i32
        %add3A_296 = arith.addi %add3A_292, %add3A_295 : i32
        %get3A_297 = arith.index_cast %add3A_296 : i32 to index
        %get3A_298 = tpu.vector_load %arg6[%get3A_297] {strides = array<i32>} : memref<24576xf32, #tpu.memory_space<vmem>>, vector<16xf32>,
        %add3A_299 = arith.constant 16384 : i32
        %add3A_300 = arith.addi %add3A_292, %add3A_299 : i32
        %get3A_301 = arith.index_cast %add3A_300 : i32 to index
        %get3A_302 = tpu.vector_load %arg6[%get3A_301] {strides = array<i32>} : memref<24576xf32, #tpu.memory_space<vmem>>, vector<16xf32>,
        %sub3A_303 = arith.subf %get3A_294, %gather3A : vector<16xf32>
        %sub3A_304 = arith.subf %get3A_298, %gather3A_133 : vector<16xf32>
        %sub3A_305 = arith.subf %get3A_302, %gather3A_137 : vector<16xf32>
        %mul3A_306 = arith.mulf %sub3A_303, %sub3A_303 : vector<16xf32>
        %mul3A_307 = arith.mulf %sub3A_304, %sub3A_304 : vector<16xf32>
        %add3A_308 = arith.addf %mul3A_306, %mul3A_307 : vector<16xf32>
        %mul3A_309 = arith.mulf %sub3A_305, %sub3A_305 : vector<16xf32>
        %add3A_310 = arith.addf %add3A_308, %mul3A_309 : vector<16xf32>
        %le3A_311 = arith.constant 4.000000e-02 : f32
        %le3A_312 = vector.broadcast %le3A_311 : f32 to vector<16xf32>
        %le3A_313 = arith.cmpf ole, %add3A_310, %le3A_312 : vector<16xf32>
        %add3A_314 = arith.constant 96 : i32
        %add3A_315 = arith.addi %multiple_of3A, %add3A_314 : i32
        %get3A_316 = arith.index_cast %add3A_315 : i32 to index
        %get3A_317 = tpu.vector_load %arg6[%get3A_316] {strides = array<i32>} : memref<24576xf32, #tpu.memory_space<vmem>>, vector<16xf32>,
        %add3A_318 = arith.constant 8192 : i32
        %add3A_319 = arith.addi %add3A_315, %add3A_318 : i32
        %get3A_320 = arith.index_cast %add3A_319 : i32 to index
        %get3A_321 = tpu.vector_load %arg6[%get3A_320] {strides = array<i32>} : memref<24576xf32, #tpu.memory_space<vmem>>, vector<16xf32>,
        %add3A_322 = arith.constant 16384 : i32
        %add3A_323 = arith.addi %add3A_315, %add3A_322 : i32
        %get3A_324 = arith.index_cast %add3A_323 : i32 to index
        %get3A_325 = tpu.vector_load %arg6[%get3A_324] {strides = array<i32>} : memref<24576xf32, #tpu.memory_space<vmem>>, vector<16xf32>,
        %sub3A_326 = arith.subf %get3A_317, %gather3A : vector<16xf32>
        %sub3A_327 = arith.subf %get3A_321, %gather3A_133 : vector<16xf32>
        %sub3A_328 = arith.subf %get3A_325, %gather3A_137 : vector<16xf32>
        %mul3A_329 = arith.mulf %sub3A_326, %sub3A_326 : vector<16xf32>
        %mul3A_330 = arith.mulf %sub3A_327, %sub3A_327 : vector<16xf32>
        %add3A_331 = arith.addf %mul3A_329, %mul3A_330 : vector<16xf32>
        %mul3A_332 = arith.mulf %sub3A_328, %sub3A_328 : vector<16xf32>
        %add3A_333 = arith.addf %add3A_331, %mul3A_332 : vector<16xf32>
        %le3A_334 = arith.constant 4.000000e-02 : f32
        %le3A_335 = vector.broadcast %le3A_334 : f32 to vector<16xf32>
        %le3A_336 = arith.cmpf ole, %add3A_333, %le3A_335 : vector<16xf32>
        %add3A_337 = arith.constant 112 : i32
        %add3A_338 = arith.addi %multiple_of3A, %add3A_337 : i32
        %get3A_339 = arith.index_cast %add3A_338 : i32 to index
        %get3A_340 = tpu.vector_load %arg6[%get3A_339] {strides = array<i32>} : memref<24576xf32, #tpu.memory_space<vmem>>, vector<16xf32>,
        %add3A_341 = arith.constant 8192 : i32
        %add3A_342 = arith.addi %add3A_338, %add3A_341 : i32
        %get3A_343 = arith.index_cast %add3A_342 : i32 to index
        %get3A_344 = tpu.vector_load %arg6[%get3A_343] {strides = array<i32>} : memref<24576xf32, #tpu.memory_space<vmem>>, vector<16xf32>,
        %add3A_345 = arith.constant 16384 : i32
        %add3A_346 = arith.addi %add3A_338, %add3A_345 : i32
        %get3A_347 = arith.index_cast %add3A_346 : i32 to index
        %get3A_348 = tpu.vector_load %arg6[%get3A_347] {strides = array<i32>} : memref<24576xf32, #tpu.memory_space<vmem>>, vector<16xf32>,
        %sub3A_349 = arith.subf %get3A_340, %gather3A : vector<16xf32>
        %sub3A_350 = arith.subf %get3A_344, %gather3A_133 : vector<16xf32>
        %sub3A_351 = arith.subf %get3A_348, %gather3A_137 : vector<16xf32>
        %mul3A_352 = arith.mulf %sub3A_349, %sub3A_349 : vector<16xf32>
        %mul3A_353 = arith.mulf %sub3A_350, %sub3A_350 : vector<16xf32>
        %add3A_354 = arith.addf %mul3A_352, %mul3A_353 : vector<16xf32>
        %mul3A_355 = arith.mulf %sub3A_351, %sub3A_351 : vector<16xf32>
        %add3A_356 = arith.addf %add3A_354, %mul3A_355 : vector<16xf32>
        %le3A_357 = arith.constant 4.000000e-02 : f32
        %le3A_358 = vector.broadcast %le3A_357 : f32 to vector<16xf32>
        %le3A_359 = arith.cmpf ole, %add3A_356, %le3A_358 : vector<16xf32>
        %all_reduce_population_count3A = tpu.all_reduce %le3A_198 {dim = 0 : i64, kind = #tpu.reduction_kind<sum>} : vector<16xi1> -> vector<16xi32>
        %slice3A = vector.extract_strided_slice %all_reduce_population_count3A {offsets = [0], sizes = [1], strides = [1]} : vector<16xi32> to vector<1xi32>
        %squeeze3A = vector.extract %slice3A[0] : i32 from vector<1xi32>
        %all_reduce_population_count3A_360 = tpu.all_reduce %le3A_221 {dim = 0 : i64, kind = #tpu.reduction_kind<sum>} : vector<16xi1> -> vector<16xi32>
        %slice3A_361 = vector.extract_strided_slice %all_reduce_population_count3A_360 {offsets = [0], sizes = [1], strides = [1]} : vector<16xi32> to vector<1xi32>
        %squeeze3A_362 = vector.extract %slice3A_361[0] : i32 from vector<1xi32>
        %all_reduce_population_count3A_363 = tpu.all_reduce %le3A_244 {dim = 0 : i64, kind = #tpu.reduction_kind<sum>} : vector<16xi1> -> vector<16xi32>
        %slice3A_364 = vector.extract_strided_slice %all_reduce_population_count3A_363 {offsets = [0], sizes = [1], strides = [1]} : vector<16xi32> to vector<1xi32>
        %squeeze3A_365 = vector.extract %slice3A_364[0] : i32 from vector<1xi32>
        %all_reduce_population_count3A_366 = tpu.all_reduce %le3A_267 {dim = 0 : i64, kind = #tpu.reduction_kind<sum>} : vector<16xi1> -> vector<16xi32>
        %slice3A_367 = vector.extract_strided_slice %all_reduce_population_count3A_366 {offsets = [0], sizes = [1], strides = [1]} : vector<16xi32> to vector<1xi32>
        %squeeze3A_368 = vector.extract %slice3A_367[0] : i32 from vector<1xi32>
        %all_reduce_population_count3A_369 = tpu.all_reduce %le3A_290 {dim = 0 : i64, kind = #tpu.reduction_kind<sum>} : vector<16xi1> -> vector<16xi32>
        %slice3A_370 = vector.extract_strided_slice %all_reduce_population_count3A_369 {offsets = [0], sizes = [1], strides = [1]} : vector<16xi32> to vector<1xi32>
        %squeeze3A_371 = vector.extract %slice3A_370[0] : i32 from vector<1xi32>
        %all_reduce_population_count3A_372 = tpu.all_reduce %le3A_313 {dim = 0 : i64, kind = #tpu.reduction_kind<sum>} : vector<16xi1> -> vector<16xi32>
        %slice3A_373 = vector.extract_strided_slice %all_reduce_population_count3A_372 {offsets = [0], sizes = [1], strides = [1]} : vector<16xi32> to vector<1xi32>
        %squeeze3A_374 = vector.extract %slice3A_373[0] : i32 from vector<1xi32>
        %all_reduce_population_count3A_375 = tpu.all_reduce %le3A_336 {dim = 0 : i64, kind = #tpu.reduction_kind<sum>} : vector<16xi1> -> vector<16xi32>
        %slice3A_376 = vector.extract_strided_slice %all_reduce_population_count3A_375 {offsets = [0], sizes = [1], strides = [1]} : vector<16xi32> to vector<1xi32>
        %squeeze3A_377 = vector.extract %slice3A_376[0] : i32 from vector<1xi32>
        %all_reduce_population_count3A_378 = tpu.all_reduce %le3A_359 {dim = 0 : i64, kind = #tpu.reduction_kind<sum>} : vector<16xi1> -> vector<16xi32>
        %slice3A_379 = vector.extract_strided_slice %all_reduce_population_count3A_378 {offsets = [0], sizes = [1], strides = [1]} : vector<16xi32> to vector<1xi32>
        %squeeze3A_380 = vector.extract %slice3A_379[0] : i32 from vector<1xi32>
        %add3A_381 = arith.constant 0 : i32
        %add3A_382 = arith.addi %multiple_of3A, %add3A_381 : i32
        %add3A_383 = vector.broadcast %add3A_382 : i32 to vector<16xi32>
        %add3A_384 = arith.addi %iota3A, %add3A_383 : vector<16xi32>
        %swap3A_385 = arith.index_cast %while3A_175 : i32 to index
        %swap3A_386 = tpu.vector_load %arg8[%swap3A_385] masked %le3A_198 {strides = array<i32>} : memref<176xi32, #tpu.memory_space<vmem>>, vector<16xi32>, vector<16xi1>
        tpu.vector_store %arg8[%swap3A_385], %add3A_384 masked %le3A_198 {strides = array<i32>} : memref<176xi32, #tpu.memory_space<vmem>>, vector<16xi32>, vector<16xi1>
        %add3A_387 = arith.addi %while3A_175, %squeeze3A : i32
        %add3A_388 = arith.constant 16 : i32
        %add3A_389 = arith.addi %multiple_of3A, %add3A_388 : i32
        %add3A_390 = vector.broadcast %add3A_389 : i32 to vector<16xi32>
        %add3A_391 = arith.addi %iota3A, %add3A_390 : vector<16xi32>
        %swap3A_392 = arith.index_cast %add3A_387 : i32 to index
        %swap3A_393 = tpu.vector_load %arg8[%swap3A_392] masked %le3A_221 {strides = array<i32>} : memref<176xi32, #tpu.memory_space<vmem>>, vector<16xi32>, vector<16xi1>
        tpu.vector_store %arg8[%swap3A_392], %add3A_391 masked %le3A_221 {strides = array<i32>} : memref<176xi32, #tpu.memory_space<vmem>>, vector<16xi32>, vector<16xi1>
        %add3A_394 = arith.addi %add3A_387, %squeeze3A_362 : i32
        %add3A_395 = arith.constant 32 : i32
        %add3A_396 = arith.addi %multiple_of3A, %add3A_395 : i32
        %add3A_397 = vector.broadcast %add3A_396 : i32 to vector<16xi32>
        %add3A_398 = arith.addi %iota3A, %add3A_397 : vector<16xi32>
        %swap3A_399 = arith.index_cast %add3A_394 : i32 to index
        %swap3A_400 = tpu.vector_load %arg8[%swap3A_399] masked %le3A_244 {strides = array<i32>} : memref<176xi32, #tpu.memory_space<vmem>>, vector<16xi32>, vector<16xi1>
        tpu.vector_store %arg8[%swap3A_399], %add3A_398 masked %le3A_244 {strides = array<i32>} : memref<176xi32, #tpu.memory_space<vmem>>, vector<16xi32>, vector<16xi1>
        %add3A_401 = arith.addi %add3A_394, %squeeze3A_365 : i32
        %add3A_402 = arith.constant 48 : i32
        %add3A_403 = arith.addi %multiple_of3A, %add3A_402 : i32
        %add3A_404 = vector.broadcast %add3A_403 : i32 to vector<16xi32>
        %add3A_405 = arith.addi %iota3A, %add3A_404 : vector<16xi32>
        %swap3A_406 = arith.index_cast %add3A_401 : i32 to index
        %swap3A_407 = tpu.vector_load %arg8[%swap3A_406] masked %le3A_267 {strides = array<i32>} : memref<176xi32, #tpu.memory_space<vmem>>, vector<16xi32>, vector<16xi1>
        tpu.vector_store %arg8[%swap3A_406], %add3A_405 masked %le3A_267 {strides = array<i32>} : memref<176xi32, #tpu.memory_space<vmem>>, vector<16xi32>, vector<16xi1>
        %add3A_408 = arith.addi %add3A_401, %squeeze3A_368 : i32
        %add3A_409 = arith.constant 64 : i32
        %add3A_410 = arith.addi %multiple_of3A, %add3A_409 : i32
        %add3A_411 = vector.broadcast %add3A_410 : i32 to vector<16xi32>
        %add3A_412 = arith.addi %iota3A, %add3A_411 : vector<16xi32>
        %swap3A_413 = arith.index_cast %add3A_408 : i32 to index
        %swap3A_414 = tpu.vector_load %arg8[%swap3A_413] masked %le3A_290 {strides = array<i32>} : memref<176xi32, #tpu.memory_space<vmem>>, vector<16xi32>, vector<16xi1>
        tpu.vector_store %arg8[%swap3A_413], %add3A_412 masked %le3A_290 {strides = array<i32>} : memref<176xi32, #tpu.memory_space<vmem>>, vector<16xi32>, vector<16xi1>
        %add3A_415 = arith.addi %add3A_408, %squeeze3A_371 : i32
        %add3A_416 = arith.constant 80 : i32
        %add3A_417 = arith.addi %multiple_of3A, %add3A_416 : i32
        %add3A_418 = vector.broadcast %add3A_417 : i32 to vector<16xi32>
        %add3A_419 = arith.addi %iota3A, %add3A_418 : vector<16xi32>
        %swap3A_420 = arith.index_cast %add3A_415 : i32 to index
        %swap3A_421 = tpu.vector_load %arg8[%swap3A_420] masked %le3A_313 {strides = array<i32>} : memref<176xi32, #tpu.memory_space<vmem>>, vector<16xi32>, vector<16xi1>
        tpu.vector_store %arg8[%swap3A_420], %add3A_419 masked %le3A_313 {strides = array<i32>} : memref<176xi32, #tpu.memory_space<vmem>>, vector<16xi32>, vector<16xi1>
        %add3A_422 = arith.addi %add3A_415, %squeeze3A_374 : i32
        %add3A_423 = arith.constant 96 : i32
        %add3A_424 = arith.addi %multiple_of3A, %add3A_423 : i32
        %add3A_425 = vector.broadcast %add3A_424 : i32 to vector<16xi32>
        %add3A_426 = arith.addi %iota3A, %add3A_425 : vector<16xi32>
        %swap3A_427 = arith.index_cast %add3A_422 : i32 to index
        %swap3A_428 = tpu.vector_load %arg8[%swap3A_427] masked %le3A_336 {strides = array<i32>} : memref<176xi32, #tpu.memory_space<vmem>>, vector<16xi32>, vector<16xi1>
        tpu.vector_store %arg8[%swap3A_427], %add3A_426 masked %le3A_336 {strides = array<i32>} : memref<176xi32, #tpu.memory_space<vmem>>, vector<16xi32>, vector<16xi1>
        %add3A_429 = arith.addi %add3A_422, %squeeze3A_377 : i32
        %add3A_430 = arith.constant 112 : i32
        %add3A_431 = arith.addi %multiple_of3A, %add3A_430 : i32
        %add3A_432 = vector.broadcast %add3A_431 : i32 to vector<16xi32>
        %add3A_433 = arith.addi %iota3A, %add3A_432 : vector<16xi32>
        %swap3A_434 = arith.index_cast %add3A_429 : i32 to index
        %swap3A_435 = tpu.vector_load %arg8[%swap3A_434] masked %le3A_359 {strides = array<i32>} : memref<176xi32, #tpu.memory_space<vmem>>, vector<16xi32>, vector<16xi1>
        tpu.vector_store %arg8[%swap3A_434], %add3A_433 masked %le3A_359 {strides = array<i32>} : memref<176xi32, #tpu.memory_space<vmem>>, vector<16xi32>, vector<16xi1>
        %add3A_436 = arith.addi %add3A_429, %squeeze3A_380 : i32
        %add3A_437 = arith.constant 1 : i32
        %add3A_438 = arith.addi %while3A_174, %add3A_437 : i32
        scf.yield %add3A_438, %add3A_436 : i32, i32
      }
      %broadcast_in_dim3A_140 = arith.constant 0 : i32
      %broadcast_in_dim3A_141 = vector.broadcast %broadcast_in_dim3A_140 : i32 to vector<16xi32>
      %gather3A_142 = tpu.vector_load_idx %arg8[%broadcast_in_dim3A_141] : memref<176xi32, #tpu.memory_space<vmem>>[vector<16xi32>], vector<16xi32>,
      %broadcast_in_dim3A_143 = vector.broadcast %while3A_139#1 : i32 to vector<16xi32>
      %eq3A = arith.constant 0 : i32
      %eq3A_144 = vector.broadcast %eq3A : i32 to vector<16xi32>
      %eq3A_145 = arith.cmpi eq, %broadcast_in_dim3A_143, %eq3A_144 : vector<16xi32>
      %broadcast_in_dim3A_146 = arith.constant 8191 : i32
      %broadcast_in_dim3A_147 = vector.broadcast %broadcast_in_dim3A_146 : i32 to vector<16xi32>
      %select_n3A = arith.select %eq3A_145, %broadcast_in_dim3A_147, %gather3A_142 : vector<16xi1>, vector<16xi32>
      %add3A_148 = arith.constant 0 : i32
      %add3A_149 = vector.broadcast %add3A_148 : i32 to vector<16xi32>
      %add3A_150 = arith.addi %iota3A, %add3A_149 : vector<16xi32>
      %get3A = arith.constant 0 : index
      %get3A_151 = tpu.vector_load %arg8[%get3A] {strides = array<i32>} : memref<176xi32, #tpu.memory_space<vmem>>, vector<16xi32>,
      %broadcast_in_dim3A_152 = vector.broadcast %while3A_139#1 : i32 to vector<16xi32>
      %lt3A = arith.cmpi slt, %add3A_150, %broadcast_in_dim3A_152 : vector<16xi32>
      %select_n3A_153 = arith.select %lt3A, %get3A_151, %select_n3A : vector<16xi1>, vector<16xi32>
      %mul3A_154 = arith.constant 32 : i32
      %mul3A_155 = arith.muli %scan3A_125, %mul3A_154 : i32
      %add3A_156 = arith.constant 0 : i32
      %add3A_157 = arith.addi %mul3A_155, %add3A_156 : i32
      %swap3A = arith.index_cast %add3A_157 : i32 to index
      %swap3A_158 = tpu.vector_load %arg9[%swap3A] {strides = array<i32>} : memref<2048xi32, #tpu.memory_space<vmem>>, vector<16xi32>,
      tpu.vector_store %arg9[%swap3A], %select_n3A_153 {strides = array<i32>} : memref<2048xi32, #tpu.memory_space<vmem>>, vector<16xi32>,
      %add3A_159 = arith.constant 16 : i32
      %add3A_160 = vector.broadcast %add3A_159 : i32 to vector<16xi32>
      %add3A_161 = arith.addi %iota3A, %add3A_160 : vector<16xi32>
      %get3A_162 = arith.constant 16 : index
      %get3A_163 = tpu.vector_load %arg8[%get3A_162] {strides = array<i32>} : memref<176xi32, #tpu.memory_space<vmem>>, vector<16xi32>,
      %broadcast_in_dim3A_164 = vector.broadcast %while3A_139#1 : i32 to vector<16xi32>
      %lt3A_165 = arith.cmpi slt, %add3A_161, %broadcast_in_dim3A_164 : vector<16xi32>
      %select_n3A_166 = arith.select %lt3A_165, %get3A_163, %select_n3A : vector<16xi1>, vector<16xi32>
      %mul3A_167 = arith.constant 32 : i32
      %mul3A_168 = arith.muli %scan3A_125, %mul3A_167 : i32
      %add3A_169 = arith.constant 16 : i32
      %add3A_170 = arith.addi %mul3A_168, %add3A_169 : i32
      %swap3A_171 = arith.index_cast %add3A_170 : i32 to index
      %swap3A_172 = tpu.vector_load %arg9[%swap3A_171] {strides = array<i32>} : memref<2048xi32, #tpu.memory_space<vmem>>, vector<16xi32>,
      tpu.vector_store %arg9[%swap3A_171], %select_n3A_166 {strides = array<i32>} : memref<2048xi32, #tpu.memory_space<vmem>>, vector<16xi32>,
      %scan3A_173 = arith.constant 0 : i32
      scf.yield %scan3A_173 : i32
    }
    %scan3A_58 = arith.constant 64 : i32
    %mul3A_59 = arith.constant 64 : i32
    %mul3A_60 = arith.muli %arg1, %mul3A_59 : i32
    %mul3A_61 = arith.constant 32 : i32
    %mul3A_62 = arith.muli %mul3A_60, %mul3A_61 : i32
    "tpu.region"() ({
      %run_scoped3A_125 = tpu.sem_alloc : memref<!tpu.dma_semaphore, #tpu.memory_space<semaphore_mem>>
      %dma_start3A_126 = tpu.memref_slice %arg10[%mul3A_62] : memref<32768xi32, #tpu.memory_space<vmem_shared>> -> memref<2048xi32, #tpu.memory_space<vmem_shared>>
      %dma_start3A_127 = tpu.memref_slice %arg10[%mul3A_62] : memref<32768xi32, #tpu.memory_space<vmem_shared>> -> memref<2048xi32, #tpu.memory_space<vmem_shared>>
      tpu.enqueue_dma source(%arg9 : memref<2048xi32, #tpu.memory_space<vmem>>) target(%dma_start3A_127 : memref<2048xi32, #tpu.memory_space<vmem_shared>>) target_semaphore(%run_scoped3A_125 : memref<!tpu.dma_semaphore, #tpu.memory_space<semaphore_mem>>)
      %dma_wait3A_128 = tpu.memref_slice %arg10[%mul3A_62] : memref<32768xi32, #tpu.memory_space<vmem_shared>> -> memref<2048xi32, #tpu.memory_space<vmem_shared>>
      %dma_wait3A_129 = tpu.memref_slice %arg10[%mul3A_62] : memref<32768xi32, #tpu.memory_space<vmem_shared>> -> memref<2048xi32, #tpu.memory_space<vmem_shared>>
      tpu.wait_dma2 semaphore(%run_scoped3A_125 : memref<!tpu.dma_semaphore, #tpu.memory_space<semaphore_mem>>) src(%arg9 : memref<2048xi32, #tpu.memory_space<vmem>>) dst(%dma_wait3A_129 : memref<2048xi32, #tpu.memory_space<vmem_shared>>)
      tpu.yield
    }) : () -> ()
    %barrier3A = arith.constant 0 : index
    tpu.barrier barrier_id(%barrier3A)
    "tpu.region"() ({
      %run_scoped3A_125 = tpu.sem_alloc : memref<!tpu.dma_semaphore, #tpu.memory_space<semaphore_mem>>
      tpu.enqueue_dma source(%arg10 : memref<32768xi32, #tpu.memory_space<vmem_shared>>) target(%arg11 : memref<32768xi32, #tpu.memory_space<vmem>>) target_semaphore(%run_scoped3A_125 : memref<!tpu.dma_semaphore, #tpu.memory_space<semaphore_mem>>)
      tpu.wait_dma2 semaphore(%run_scoped3A_125 : memref<!tpu.dma_semaphore, #tpu.memory_space<semaphore_mem>>) src(%arg10 : memref<32768xi32, #tpu.memory_space<vmem_shared>>) dst(%arg11 : memref<32768xi32, #tpu.memory_space<vmem>>)
      tpu.yield
    }) : () -> ()
    %parallel_loop3A = arith.constant 0 : i32
    %parallel_loop3A_63 = arith.constant 64 : i32
    %parallel_loop3A_64 = arith.constant 1 : i32
    scf.for %parallel_loop3A_125 = %parallel_loop3A to %parallel_loop3A_63 step %parallel_loop3A_64  : i32 {
      %parallel_loop3A_126 = arith.constant 64 : i32
      %parallel_loop3A_127 = arith.muli %arg1, %parallel_loop3A_126 : i32
      %parallel_loop3A_128 = arith.addi %parallel_loop3A_127, %parallel_loop3A_125 : i32
      %parallel_loop3A_129 = vector.broadcast %parallel_loop3A_128 : i32 to vector<16xi32>
      %parallel_loop3A_130 = arith.constant 0 : i32
      %parallel_loop3A_131 = vector.broadcast %parallel_loop3A_130 : i32 to vector<16xi32>
      %parallel_loop3A_132 = arith.addi %parallel_loop3A_129, %parallel_loop3A_131 : vector<16xi32>
      %parallel_loop3A_133 = tpu.vector_load_idx %arg7[%parallel_loop3A_132] : memref<3072xf32, #tpu.memory_space<vmem>>[vector<16xi32>], vector<16xf32>,
      %parallel_loop3A_134 = arith.constant 1024 : i32
      %parallel_loop3A_135 = vector.broadcast %parallel_loop3A_134 : i32 to vector<16xi32>
      %parallel_loop3A_136 = arith.addi %parallel_loop3A_129, %parallel_loop3A_135 : vector<16xi32>
      %parallel_loop3A_137 = tpu.vector_load_idx %arg7[%parallel_loop3A_136] : memref<3072xf32, #tpu.memory_space<vmem>>[vector<16xi32>], vector<16xf32>,
      %parallel_loop3A_138 = arith.constant 2048 : i32
      %parallel_loop3A_139 = vector.broadcast %parallel_loop3A_138 : i32 to vector<16xi32>
      %parallel_loop3A_140 = arith.addi %parallel_loop3A_129, %parallel_loop3A_139 : vector<16xi32>
      %parallel_loop3A_141 = tpu.vector_load_idx %arg7[%parallel_loop3A_140] : memref<3072xf32, #tpu.memory_space<vmem>>[vector<16xi32>], vector<16xf32>,
      %parallel_loop3A_142 = arith.constant 32 : i32
      %parallel_loop3A_143 = arith.muli %parallel_loop3A_125, %parallel_loop3A_142 : i32
      %parallel_loop3A_144 = arith.constant 0 : i32
      %parallel_loop3A_145 = arith.addi %parallel_loop3A_143, %parallel_loop3A_144 : i32
      %parallel_loop3A_146 = arith.index_cast %parallel_loop3A_145 : i32 to index
      %parallel_loop3A_147 = tpu.vector_load %arg9[%parallel_loop3A_146] {strides = array<i32>} : memref<2048xi32, #tpu.memory_space<vmem>>, vector<16xi32>,
      %parallel_loop3A_148 = arith.constant 0 : i32
      %parallel_loop3A_149 = vector.broadcast %parallel_loop3A_148 : i32 to vector<16xi32>
      %parallel_loop3A_150 = arith.addi %parallel_loop3A_147, %parallel_loop3A_149 : vector<16xi32>
      %parallel_loop3A_151 = tpu.vector_load_idx %arg6[%parallel_loop3A_150] : memref<24576xf32, #tpu.memory_space<vmem>>[vector<16xi32>], vector<16xf32>,
      %parallel_loop3A_152 = arith.subf %parallel_loop3A_151, %parallel_loop3A_133 : vector<16xf32>
      %parallel_loop3A_153 = arith.constant 32 : i32
      %parallel_loop3A_154 = arith.muli %parallel_loop3A_125, %parallel_loop3A_153 : i32
      %parallel_loop3A_155 = arith.constant 0 : i32
      %parallel_loop3A_156 = arith.addi %parallel_loop3A_155, %parallel_loop3A_154 : i32
      %parallel_loop3A_157 = arith.constant 0 : i32
      %parallel_loop3A_158 = arith.addi %parallel_loop3A_156, %parallel_loop3A_157 : i32
      %parallel_loop3A_159 = arith.index_cast %parallel_loop3A_158 : i32 to index
      %parallel_loop3A_160 = tpu.vector_load %arg13[%parallel_loop3A_159] {strides = array<i32>} : memref<16384xf32, #tpu.memory_space<vmem>>, vector<16xf32>,
      tpu.vector_store %arg13[%parallel_loop3A_159], %parallel_loop3A_152 {strides = array<i32>} : memref<16384xf32, #tpu.memory_space<vmem>>, vector<16xf32>,
      %parallel_loop3A_161 = arith.constant 8192 : i32
      %parallel_loop3A_162 = vector.broadcast %parallel_loop3A_161 : i32 to vector<16xi32>
      %parallel_loop3A_163 = arith.addi %parallel_loop3A_147, %parallel_loop3A_162 : vector<16xi32>
      %parallel_loop3A_164 = tpu.vector_load_idx %arg6[%parallel_loop3A_163] : memref<24576xf32, #tpu.memory_space<vmem>>[vector<16xi32>], vector<16xf32>,
      %parallel_loop3A_165 = arith.subf %parallel_loop3A_164, %parallel_loop3A_137 : vector<16xf32>
      %parallel_loop3A_166 = arith.constant 32 : i32
      %parallel_loop3A_167 = arith.muli %parallel_loop3A_125, %parallel_loop3A_166 : i32
      %parallel_loop3A_168 = arith.constant 2048 : i32
      %parallel_loop3A_169 = arith.addi %parallel_loop3A_168, %parallel_loop3A_167 : i32
      %parallel_loop3A_170 = arith.constant 0 : i32
      %parallel_loop3A_171 = arith.addi %parallel_loop3A_169, %parallel_loop3A_170 : i32
      %parallel_loop3A_172 = arith.index_cast %parallel_loop3A_171 : i32 to index
      %parallel_loop3A_173 = tpu.vector_load %arg13[%parallel_loop3A_172] {strides = array<i32>} : memref<16384xf32, #tpu.memory_space<vmem>>, vector<16xf32>,
      tpu.vector_store %arg13[%parallel_loop3A_172], %parallel_loop3A_165 {strides = array<i32>} : memref<16384xf32, #tpu.memory_space<vmem>>, vector<16xf32>,
      %parallel_loop3A_174 = arith.constant 16384 : i32
      %parallel_loop3A_175 = vector.broadcast %parallel_loop3A_174 : i32 to vector<16xi32>
      %parallel_loop3A_176 = arith.addi %parallel_loop3A_147, %parallel_loop3A_175 : vector<16xi32>
      %parallel_loop3A_177 = tpu.vector_load_idx %arg6[%parallel_loop3A_176] : memref<24576xf32, #tpu.memory_space<vmem>>[vector<16xi32>], vector<16xf32>,
      %parallel_loop3A_178 = arith.subf %parallel_loop3A_177, %parallel_loop3A_141 : vector<16xf32>
      %parallel_loop3A_179 = arith.constant 32 : i32
      %parallel_loop3A_180 = arith.muli %parallel_loop3A_125, %parallel_loop3A_179 : i32
      %parallel_loop3A_181 = arith.constant 4096 : i32
      %parallel_loop3A_182 = arith.addi %parallel_loop3A_181, %parallel_loop3A_180 : i32
      %parallel_loop3A_183 = arith.constant 0 : i32
      %parallel_loop3A_184 = arith.addi %parallel_loop3A_182, %parallel_loop3A_183 : i32
      %parallel_loop3A_185 = arith.index_cast %parallel_loop3A_184 : i32 to index
      %parallel_loop3A_186 = tpu.vector_load %arg13[%parallel_loop3A_185] {strides = array<i32>} : memref<16384xf32, #tpu.memory_space<vmem>>, vector<16xf32>,
      tpu.vector_store %arg13[%parallel_loop3A_185], %parallel_loop3A_178 {strides = array<i32>} : memref<16384xf32, #tpu.memory_space<vmem>>, vector<16xf32>,
      %parallel_loop3A_187 = arith.constant 32 : i32
      %parallel_loop3A_188 = arith.muli %parallel_loop3A_125, %parallel_loop3A_187 : i32
      %parallel_loop3A_189 = arith.constant 16 : i32
      %parallel_loop3A_190 = arith.addi %parallel_loop3A_188, %parallel_loop3A_189 : i32
      %parallel_loop3A_191 = arith.index_cast %parallel_loop3A_190 : i32 to index
      %parallel_loop3A_192 = tpu.vector_load %arg9[%parallel_loop3A_191] {strides = array<i32>} : memref<2048xi32, #tpu.memory_space<vmem>>, vector<16xi32>,
      %parallel_loop3A_193 = arith.constant 0 : i32
      %parallel_loop3A_194 = vector.broadcast %parallel_loop3A_193 : i32 to vector<16xi32>
      %parallel_loop3A_195 = arith.addi %parallel_loop3A_192, %parallel_loop3A_194 : vector<16xi32>
      %parallel_loop3A_196 = tpu.vector_load_idx %arg6[%parallel_loop3A_195] : memref<24576xf32, #tpu.memory_space<vmem>>[vector<16xi32>], vector<16xf32>,
      %parallel_loop3A_197 = arith.subf %parallel_loop3A_196, %parallel_loop3A_133 : vector<16xf32>
      %parallel_loop3A_198 = arith.constant 32 : i32
      %parallel_loop3A_199 = arith.muli %parallel_loop3A_125, %parallel_loop3A_198 : i32
      %parallel_loop3A_200 = arith.constant 0 : i32
      %parallel_loop3A_201 = arith.addi %parallel_loop3A_200, %parallel_loop3A_199 : i32
      %parallel_loop3A_202 = arith.constant 16 : i32
      %parallel_loop3A_203 = arith.addi %parallel_loop3A_201, %parallel_loop3A_202 : i32
      %parallel_loop3A_204 = arith.index_cast %parallel_loop3A_203 : i32 to index
      %parallel_loop3A_205 = tpu.vector_load %arg13[%parallel_loop3A_204] {strides = array<i32>} : memref<16384xf32, #tpu.memory_space<vmem>>, vector<16xf32>,
      tpu.vector_store %arg13[%parallel_loop3A_204], %parallel_loop3A_197 {strides = array<i32>} : memref<16384xf32, #tpu.memory_space<vmem>>, vector<16xf32>,
      %parallel_loop3A_206 = arith.constant 8192 : i32
      %parallel_loop3A_207 = vector.broadcast %parallel_loop3A_206 : i32 to vector<16xi32>
      %parallel_loop3A_208 = arith.addi %parallel_loop3A_192, %parallel_loop3A_207 : vector<16xi32>
      %parallel_loop3A_209 = tpu.vector_load_idx %arg6[%parallel_loop3A_208] : memref<24576xf32, #tpu.memory_space<vmem>>[vector<16xi32>], vector<16xf32>,
      %parallel_loop3A_210 = arith.subf %parallel_loop3A_209, %parallel_loop3A_137 : vector<16xf32>
      %parallel_loop3A_211 = arith.constant 32 : i32
      %parallel_loop3A_212 = arith.muli %parallel_loop3A_125, %parallel_loop3A_211 : i32
      %parallel_loop3A_213 = arith.constant 2048 : i32
      %parallel_loop3A_214 = arith.addi %parallel_loop3A_213, %parallel_loop3A_212 : i32
      %parallel_loop3A_215 = arith.constant 16 : i32
      %parallel_loop3A_216 = arith.addi %parallel_loop3A_214, %parallel_loop3A_215 : i32
      %parallel_loop3A_217 = arith.index_cast %parallel_loop3A_216 : i32 to index
      %parallel_loop3A_218 = tpu.vector_load %arg13[%parallel_loop3A_217] {strides = array<i32>} : memref<16384xf32, #tpu.memory_space<vmem>>, vector<16xf32>,
      tpu.vector_store %arg13[%parallel_loop3A_217], %parallel_loop3A_210 {strides = array<i32>} : memref<16384xf32, #tpu.memory_space<vmem>>, vector<16xf32>,
      %parallel_loop3A_219 = arith.constant 16384 : i32
      %parallel_loop3A_220 = vector.broadcast %parallel_loop3A_219 : i32 to vector<16xi32>
      %parallel_loop3A_221 = arith.addi %parallel_loop3A_192, %parallel_loop3A_220 : vector<16xi32>
      %parallel_loop3A_222 = tpu.vector_load_idx %arg6[%parallel_loop3A_221] : memref<24576xf32, #tpu.memory_space<vmem>>[vector<16xi32>], vector<16xf32>,
      %parallel_loop3A_223 = arith.subf %parallel_loop3A_222, %parallel_loop3A_141 : vector<16xf32>
      %parallel_loop3A_224 = arith.constant 32 : i32
      %parallel_loop3A_225 = arith.muli %parallel_loop3A_125, %parallel_loop3A_224 : i32
      %parallel_loop3A_226 = arith.constant 4096 : i32
      %parallel_loop3A_227 = arith.addi %parallel_loop3A_226, %parallel_loop3A_225 : i32
      %parallel_loop3A_228 = arith.constant 16 : i32
      %parallel_loop3A_229 = arith.addi %parallel_loop3A_227, %parallel_loop3A_228 : i32
      %parallel_loop3A_230 = arith.index_cast %parallel_loop3A_229 : i32 to index
      %parallel_loop3A_231 = tpu.vector_load %arg13[%parallel_loop3A_230] {strides = array<i32>} : memref<16384xf32, #tpu.memory_space<vmem>>, vector<16xf32>,
      tpu.vector_store %arg13[%parallel_loop3A_230], %parallel_loop3A_223 {strides = array<i32>} : memref<16384xf32, #tpu.memory_space<vmem>>, vector<16xf32>,
    } {sc.loop_unroll_factor = 4 : i64, sc.parallel_access}
    %mul3A_65 = arith.constant 64 : i32
    %mul3A_66 = arith.muli %arg1, %mul3A_65 : i32
    %mul3A_67 = arith.constant 32 : i32
    %mul3A_68 = arith.muli %mul3A_66, %mul3A_67 : i32
    %run_scoped3A = arith.constant 0 : i32
    "tpu.region"() ({
      %run_scoped3A_125 = tpu.sem_alloc : memref<!tpu.dma_semaphore, #tpu.memory_space<semaphore_mem>>
      %dma_start3A_126 = arith.constant 0 : i32
      %dma_start3A_127 = tpu.memref_slice %arg13[%dma_start3A_126] : memref<16384xf32, #tpu.memory_space<vmem>> -> memref<2048xf32, #tpu.memory_space<vmem>>
      %dma_start3A_128 = tpu.memref_slice %arg5[%arg0, %run_scoped3A, %mul3A_68] : memref<2x67x32768xf32, #tpu.memory_space<hbm>> -> memref<1x1x2048xf32, #tpu.memory_space<hbm>>
      %dma_start3A_129 = tpu.memref_squeeze %dma_start3A_128 : memref<1x1x2048xf32, #tpu.memory_space<hbm>> -> memref<2048xf32, #tpu.memory_space<hbm>>
      %dma_start3A_130 = tpu.memref_slice %arg5[%arg0, %run_scoped3A, %mul3A_68] : memref<2x67x32768xf32, #tpu.memory_space<hbm>> -> memref<1x1x2048xf32, #tpu.memory_space<hbm>>
      %dma_start3A_131 = tpu.memref_squeeze %dma_start3A_130 : memref<1x1x2048xf32, #tpu.memory_space<hbm>> -> memref<2048xf32, #tpu.memory_space<hbm>>
      %dma_start3A_132 = arith.constant 0 : i32
      %dma_start3A_133 = tpu.memref_slice %arg13[%dma_start3A_132] : memref<16384xf32, #tpu.memory_space<vmem>> -> memref<2048xf32, #tpu.memory_space<vmem>>
      tpu.enqueue_dma source(%dma_start3A_133 : memref<2048xf32, #tpu.memory_space<vmem>>) target(%dma_start3A_131 : memref<2048xf32, #tpu.memory_space<hbm>>) target_semaphore(%run_scoped3A_125 : memref<!tpu.dma_semaphore, #tpu.memory_space<semaphore_mem>>)
      %dma_wait3A_134 = arith.constant 0 : i32
      %dma_wait3A_135 = tpu.memref_slice %arg13[%dma_wait3A_134] : memref<16384xf32, #tpu.memory_space<vmem>> -> memref<2048xf32, #tpu.memory_space<vmem>>
      %dma_wait3A_136 = tpu.memref_slice %arg5[%arg0, %run_scoped3A, %mul3A_68] : memref<2x67x32768xf32, #tpu.memory_space<hbm>> -> memref<1x1x2048xf32, #tpu.memory_space<hbm>>
      %dma_wait3A_137 = tpu.memref_squeeze %dma_wait3A_136 : memref<1x1x2048xf32, #tpu.memory_space<hbm>> -> memref<2048xf32, #tpu.memory_space<hbm>>
      %dma_wait3A_138 = tpu.memref_slice %arg5[%arg0, %run_scoped3A, %mul3A_68] : memref<2x67x32768xf32, #tpu.memory_space<hbm>> -> memref<1x1x2048xf32, #tpu.memory_space<hbm>>
      %dma_wait3A_139 = tpu.memref_squeeze %dma_wait3A_138 : memref<1x1x2048xf32, #tpu.memory_space<hbm>> -> memref<2048xf32, #tpu.memory_space<hbm>>
      %dma_wait3A_140 = arith.constant 0 : i32
      %dma_wait3A_141 = tpu.memref_slice %arg13[%dma_wait3A_140] : memref<16384xf32, #tpu.memory_space<vmem>> -> memref<2048xf32, #tpu.memory_space<vmem>>
      tpu.wait_dma2 semaphore(%run_scoped3A_125 : memref<!tpu.dma_semaphore, #tpu.memory_space<semaphore_mem>>) src(%dma_wait3A_141 : memref<2048xf32, #tpu.memory_space<vmem>>) dst(%dma_wait3A_139 : memref<2048xf32, #tpu.memory_space<hbm>>)
      tpu.yield
    }) : () -> ()
    %mul3A_69 = arith.constant 64 : i32
    %mul3A_70 = arith.muli %arg1, %mul3A_69 : i32
    %mul3A_71 = arith.constant 32 : i32
    %mul3A_72 = arith.muli %mul3A_70, %mul3A_71 : i32
    %run_scoped3A_73 = arith.constant 1 : i32
    "tpu.region"() ({
      %run_scoped3A_125 = tpu.sem_alloc : memref<!tpu.dma_semaphore, #tpu.memory_space<semaphore_mem>>
      %dma_start3A_126 = arith.constant 2048 : i32
      %dma_start3A_127 = tpu.memref_slice %arg13[%dma_start3A_126] : memref<16384xf32, #tpu.memory_space<vmem>> -> memref<2048xf32, #tpu.memory_space<vmem>>
      %dma_start3A_128 = tpu.memref_slice %arg5[%arg0, %run_scoped3A_73, %mul3A_72] : memref<2x67x32768xf32, #tpu.memory_space<hbm>> -> memref<1x1x2048xf32, #tpu.memory_space<hbm>>
      %dma_start3A_129 = tpu.memref_squeeze %dma_start3A_128 : memref<1x1x2048xf32, #tpu.memory_space<hbm>> -> memref<2048xf32, #tpu.memory_space<hbm>>
      %dma_start3A_130 = tpu.memref_slice %arg5[%arg0, %run_scoped3A_73, %mul3A_72] : memref<2x67x32768xf32, #tpu.memory_space<hbm>> -> memref<1x1x2048xf32, #tpu.memory_space<hbm>>
      %dma_start3A_131 = tpu.memref_squeeze %dma_start3A_130 : memref<1x1x2048xf32, #tpu.memory_space<hbm>> -> memref<2048xf32, #tpu.memory_space<hbm>>
      %dma_start3A_132 = arith.constant 2048 : i32
      %dma_start3A_133 = tpu.memref_slice %arg13[%dma_start3A_132] : memref<16384xf32, #tpu.memory_space<vmem>> -> memref<2048xf32, #tpu.memory_space<vmem>>
      tpu.enqueue_dma source(%dma_start3A_133 : memref<2048xf32, #tpu.memory_space<vmem>>) target(%dma_start3A_131 : memref<2048xf32, #tpu.memory_space<hbm>>) target_semaphore(%run_scoped3A_125 : memref<!tpu.dma_semaphore, #tpu.memory_space<semaphore_mem>>)
      %dma_wait3A_134 = arith.constant 2048 : i32
      %dma_wait3A_135 = tpu.memref_slice %arg13[%dma_wait3A_134] : memref<16384xf32, #tpu.memory_space<vmem>> -> memref<2048xf32, #tpu.memory_space<vmem>>
      %dma_wait3A_136 = tpu.memref_slice %arg5[%arg0, %run_scoped3A_73, %mul3A_72] : memref<2x67x32768xf32, #tpu.memory_space<hbm>> -> memref<1x1x2048xf32, #tpu.memory_space<hbm>>
      %dma_wait3A_137 = tpu.memref_squeeze %dma_wait3A_136 : memref<1x1x2048xf32, #tpu.memory_space<hbm>> -> memref<2048xf32, #tpu.memory_space<hbm>>
      %dma_wait3A_138 = tpu.memref_slice %arg5[%arg0, %run_scoped3A_73, %mul3A_72] : memref<2x67x32768xf32, #tpu.memory_space<hbm>> -> memref<1x1x2048xf32, #tpu.memory_space<hbm>>
      %dma_wait3A_139 = tpu.memref_squeeze %dma_wait3A_138 : memref<1x1x2048xf32, #tpu.memory_space<hbm>> -> memref<2048xf32, #tpu.memory_space<hbm>>
      %dma_wait3A_140 = arith.constant 2048 : i32
      %dma_wait3A_141 = tpu.memref_slice %arg13[%dma_wait3A_140] : memref<16384xf32, #tpu.memory_space<vmem>> -> memref<2048xf32, #tpu.memory_space<vmem>>
      tpu.wait_dma2 semaphore(%run_scoped3A_125 : memref<!tpu.dma_semaphore, #tpu.memory_space<semaphore_mem>>) src(%dma_wait3A_141 : memref<2048xf32, #tpu.memory_space<vmem>>) dst(%dma_wait3A_139 : memref<2048xf32, #tpu.memory_space<hbm>>)
      tpu.yield
    }) : () -> ()
    %mul3A_74 = arith.constant 64 : i32
    %mul3A_75 = arith.muli %arg1, %mul3A_74 : i32
    %mul3A_76 = arith.constant 32 : i32
    %mul3A_77 = arith.muli %mul3A_75, %mul3A_76 : i32
    %run_scoped3A_78 = arith.constant 2 : i32
    "tpu.region"() ({
      %run_scoped3A_125 = tpu.sem_alloc : memref<!tpu.dma_semaphore, #tpu.memory_space<semaphore_mem>>
      %dma_start3A_126 = arith.constant 4096 : i32
      %dma_start3A_127 = tpu.memref_slice %arg13[%dma_start3A_126] : memref<16384xf32, #tpu.memory_space<vmem>> -> memref<2048xf32, #tpu.memory_space<vmem>>
      %dma_start3A_128 = tpu.memref_slice %arg5[%arg0, %run_scoped3A_78, %mul3A_77] : memref<2x67x32768xf32, #tpu.memory_space<hbm>> -> memref<1x1x2048xf32, #tpu.memory_space<hbm>>
      %dma_start3A_129 = tpu.memref_squeeze %dma_start3A_128 : memref<1x1x2048xf32, #tpu.memory_space<hbm>> -> memref<2048xf32, #tpu.memory_space<hbm>>
      %dma_start3A_130 = tpu.memref_slice %arg5[%arg0, %run_scoped3A_78, %mul3A_77] : memref<2x67x32768xf32, #tpu.memory_space<hbm>> -> memref<1x1x2048xf32, #tpu.memory_space<hbm>>
      %dma_start3A_131 = tpu.memref_squeeze %dma_start3A_130 : memref<1x1x2048xf32, #tpu.memory_space<hbm>> -> memref<2048xf32, #tpu.memory_space<hbm>>
      %dma_start3A_132 = arith.constant 4096 : i32
      %dma_start3A_133 = tpu.memref_slice %arg13[%dma_start3A_132] : memref<16384xf32, #tpu.memory_space<vmem>> -> memref<2048xf32, #tpu.memory_space<vmem>>
      tpu.enqueue_dma source(%dma_start3A_133 : memref<2048xf32, #tpu.memory_space<vmem>>) target(%dma_start3A_131 : memref<2048xf32, #tpu.memory_space<hbm>>) target_semaphore(%run_scoped3A_125 : memref<!tpu.dma_semaphore, #tpu.memory_space<semaphore_mem>>)
      %dma_wait3A_134 = arith.constant 4096 : i32
      %dma_wait3A_135 = tpu.memref_slice %arg13[%dma_wait3A_134] : memref<16384xf32, #tpu.memory_space<vmem>> -> memref<2048xf32, #tpu.memory_space<vmem>>
      %dma_wait3A_136 = tpu.memref_slice %arg5[%arg0, %run_scoped3A_78, %mul3A_77] : memref<2x67x32768xf32, #tpu.memory_space<hbm>> -> memref<1x1x2048xf32, #tpu.memory_space<hbm>>
      %dma_wait3A_137 = tpu.memref_squeeze %dma_wait3A_136 : memref<1x1x2048xf32, #tpu.memory_space<hbm>> -> memref<2048xf32, #tpu.memory_space<hbm>>
      %dma_wait3A_138 = tpu.memref_slice %arg5[%arg0, %run_scoped3A_78, %mul3A_77] : memref<2x67x32768xf32, #tpu.memory_space<hbm>> -> memref<1x1x2048xf32, #tpu.memory_space<hbm>>
      %dma_wait3A_139 = tpu.memref_squeeze %dma_wait3A_138 : memref<1x1x2048xf32, #tpu.memory_space<hbm>> -> memref<2048xf32, #tpu.memory_space<hbm>>
      %dma_wait3A_140 = arith.constant 4096 : i32
      %dma_wait3A_141 = tpu.memref_slice %arg13[%dma_wait3A_140] : memref<16384xf32, #tpu.memory_space<vmem>> -> memref<2048xf32, #tpu.memory_space<vmem>>
      tpu.wait_dma2 semaphore(%run_scoped3A_125 : memref<!tpu.dma_semaphore, #tpu.memory_space<semaphore_mem>>) src(%dma_wait3A_141 : memref<2048xf32, #tpu.memory_space<vmem>>) dst(%dma_wait3A_139 : memref<2048xf32, #tpu.memory_space<hbm>>)
      tpu.yield
    }) : () -> ()
    %dma_wait3A = arith.constant 0 : i32
    %dma_wait3A_79 = tpu.memref_slice %arg12[%dma_wait3A] : memref<32768xf32, #tpu.memory_space<vmem>> -> memref<8192xf32, #tpu.memory_space<vmem>>
    %dma_wait3A_80 = arith.constant 0 : i32
    %dma_wait3A_81 = tpu.memref_slice %arg4[%arg0, %add3A_1, %dma_wait3A_80] : memref<2x64x8192xf32, #tpu.memory_space<hbm>> -> memref<1x1x8192xf32, #tpu.memory_space<hbm>>
    %dma_wait3A_82 = tpu.memref_squeeze %dma_wait3A_81 : memref<1x1x8192xf32, #tpu.memory_space<hbm>> -> memref<8192xf32, #tpu.memory_space<hbm>>
    %dma_wait3A_83 = arith.constant 0 : i32
    %dma_wait3A_84 = tpu.memref_slice %arg12[%dma_wait3A_83] : memref<32768xf32, #tpu.memory_space<vmem>> -> memref<8192xf32, #tpu.memory_space<vmem>>
    %dma_wait3A_85 = arith.constant 0 : i32
    %dma_wait3A_86 = tpu.memref_slice %arg4[%arg0, %add3A_1, %dma_wait3A_85] : memref<2x64x8192xf32, #tpu.memory_space<hbm>> -> memref<1x1x8192xf32, #tpu.memory_space<hbm>>
    %dma_wait3A_87 = tpu.memref_squeeze %dma_wait3A_86 : memref<1x1x8192xf32, #tpu.memory_space<hbm>> -> memref<8192xf32, #tpu.memory_space<hbm>>
    tpu.wait_dma2 semaphore(%arg14 : memref<!tpu.dma_semaphore, #tpu.memory_space<semaphore_mem>>) src(%dma_wait3A_87 : memref<8192xf32, #tpu.memory_space<hbm>>) dst(%dma_wait3A_84 : memref<8192xf32, #tpu.memory_space<vmem>>)
    %dma_wait3A_88 = arith.constant 8192 : i32
    %dma_wait3A_89 = tpu.memref_slice %arg12[%dma_wait3A_88] : memref<32768xf32, #tpu.memory_space<vmem>> -> memref<8192xf32, #tpu.memory_space<vmem>>
    %dma_wait3A_90 = arith.constant 0 : i32
    %dma_wait3A_91 = tpu.memref_slice %arg4[%arg0, %add3A_14, %dma_wait3A_90] : memref<2x64x8192xf32, #tpu.memory_space<hbm>> -> memref<1x1x8192xf32, #tpu.memory_space<hbm>>
    %dma_wait3A_92 = tpu.memref_squeeze %dma_wait3A_91 : memref<1x1x8192xf32, #tpu.memory_space<hbm>> -> memref<8192xf32, #tpu.memory_space<hbm>>
    %dma_wait3A_93 = arith.constant 8192 : i32
    %dma_wait3A_94 = tpu.memref_slice %arg12[%dma_wait3A_93] : memref<32768xf32, #tpu.memory_space<vmem>> -> memref<8192xf32, #tpu.memory_space<vmem>>
    %dma_wait3A_95 = arith.constant 0 : i32
    %dma_wait3A_96 = tpu.memref_slice %arg4[%arg0, %add3A_14, %dma_wait3A_95] : memref<2x64x8192xf32, #tpu.memory_space<hbm>> -> memref<1x1x8192xf32, #tpu.memory_space<hbm>>
    %dma_wait3A_97 = tpu.memref_squeeze %dma_wait3A_96 : memref<1x1x8192xf32, #tpu.memory_space<hbm>> -> memref<8192xf32, #tpu.memory_space<hbm>>
    tpu.wait_dma2 semaphore(%arg14 : memref<!tpu.dma_semaphore, #tpu.memory_space<semaphore_mem>>) src(%dma_wait3A_97 : memref<8192xf32, #tpu.memory_space<hbm>>) dst(%dma_wait3A_94 : memref<8192xf32, #tpu.memory_space<vmem>>)
    %dma_wait3A_98 = arith.constant 16384 : i32
    %dma_wait3A_99 = tpu.memref_slice %arg12[%dma_wait3A_98] : memref<32768xf32, #tpu.memory_space<vmem>> -> memref<8192xf32, #tpu.memory_space<vmem>>
    %dma_wait3A_100 = arith.constant 0 : i32
    %dma_wait3A_101 = tpu.memref_slice %arg4[%arg0, %add3A_28, %dma_wait3A_100] : memref<2x64x8192xf32, #tpu.memory_space<hbm>> -> memref<1x1x8192xf32, #tpu.memory_space<hbm>>
    %dma_wait3A_102 = tpu.memref_squeeze %dma_wait3A_101 : memref<1x1x8192xf32, #tpu.memory_space<hbm>> -> memref<8192xf32, #tpu.memory_space<hbm>>
    %dma_wait3A_103 = arith.constant 16384 : i32
    %dma_wait3A_104 = tpu.memref_slice %arg12[%dma_wait3A_103] : memref<32768xf32, #tpu.memory_space<vmem>> -> memref<8192xf32, #tpu.memory_space<vmem>>
    %dma_wait3A_105 = arith.constant 0 : i32
    %dma_wait3A_106 = tpu.memref_slice %arg4[%arg0, %add3A_28, %dma_wait3A_105] : memref<2x64x8192xf32, #tpu.memory_space<hbm>> -> memref<1x1x8192xf32, #tpu.memory_space<hbm>>
    %dma_wait3A_107 = tpu.memref_squeeze %dma_wait3A_106 : memref<1x1x8192xf32, #tpu.memory_space<hbm>> -> memref<8192xf32, #tpu.memory_space<hbm>>
    tpu.wait_dma2 semaphore(%arg14 : memref<!tpu.dma_semaphore, #tpu.memory_space<semaphore_mem>>) src(%dma_wait3A_107 : memref<8192xf32, #tpu.memory_space<hbm>>) dst(%dma_wait3A_104 : memref<8192xf32, #tpu.memory_space<vmem>>)
    %dma_wait3A_108 = arith.constant 24576 : i32
    %dma_wait3A_109 = tpu.memref_slice %arg12[%dma_wait3A_108] : memref<32768xf32, #tpu.memory_space<vmem>> -> memref<8192xf32, #tpu.memory_space<vmem>>
    %dma_wait3A_110 = arith.constant 0 : i32
    %dma_wait3A_111 = tpu.memref_slice %arg4[%arg0, %add3A_42, %dma_wait3A_110] : memref<2x64x8192xf32, #tpu.memory_space<hbm>> -> memref<1x1x8192xf32, #tpu.memory_space<hbm>>
    %dma_wait3A_112 = tpu.memref_squeeze %dma_wait3A_111 : memref<1x1x8192xf32, #tpu.memory_space<hbm>> -> memref<8192xf32, #tpu.memory_space<hbm>>
    %dma_wait3A_113 = arith.constant 24576 : i32
    %dma_wait3A_114 = tpu.memref_slice %arg12[%dma_wait3A_113] : memref<32768xf32, #tpu.memory_space<vmem>> -> memref<8192xf32, #tpu.memory_space<vmem>>
    %dma_wait3A_115 = arith.constant 0 : i32
    %dma_wait3A_116 = tpu.memref_slice %arg4[%arg0, %add3A_42, %dma_wait3A_115] : memref<2x64x8192xf32, #tpu.memory_space<hbm>> -> memref<1x1x8192xf32, #tpu.memory_space<hbm>>
    %dma_wait3A_117 = tpu.memref_squeeze %dma_wait3A_116 : memref<1x1x8192xf32, #tpu.memory_space<hbm>> -> memref<8192xf32, #tpu.memory_space<hbm>>
    tpu.wait_dma2 semaphore(%arg14 : memref<!tpu.dma_semaphore, #tpu.memory_space<semaphore_mem>>) src(%dma_wait3A_117 : memref<8192xf32, #tpu.memory_space<hbm>>) dst(%dma_wait3A_114 : memref<8192xf32, #tpu.memory_space<vmem>>)
    %scan3A_118 = arith.constant 0 : i32
    %scan3A_119 = arith.constant 0 : i32
    %scan3A_120 = arith.constant 8 : i32
    %scan3A_121 = arith.addi %scan3A_119, %scan3A_120 : i32
    %scan3A_122 = arith.constant 1 : i32
    %scan3A_123 = scf.for %scan3A_125 = %scan3A_119 to %scan3A_121 step %scan3A_122 iter_args(%scan3A_126 = %scan3A_118) -> (i32)  : i32 {
      %parallel_loop3A_127 = arith.constant 0 : i32
      %parallel_loop3A_128 = arith.constant 128 : i32
      %parallel_loop3A_129 = arith.constant 1 : i32
      scf.for %parallel_loop3A_171 = %parallel_loop3A_127 to %parallel_loop3A_128 step %parallel_loop3A_129  : i32 {
        %parallel_loop3A_172 = arith.constant 128 : i32
        %parallel_loop3A_173 = arith.muli %scan3A_125, %parallel_loop3A_172 : i32
        %parallel_loop3A_174 = arith.addi %parallel_loop3A_173, %parallel_loop3A_171 : i32
        %parallel_loop3A_175 = arith.constant 32 : i32
        %parallel_loop3A_176 = arith.muli %parallel_loop3A_174, %parallel_loop3A_175 : i32
        %parallel_loop3A_177 = arith.constant 0 : i32
        %parallel_loop3A_178 = arith.addi %parallel_loop3A_176, %parallel_loop3A_177 : i32
        %parallel_loop3A_179 = arith.index_cast %parallel_loop3A_178 : i32 to index
        %parallel_loop3A_180 = tpu.vector_load %arg11[%parallel_loop3A_179] {strides = array<i32>} : memref<32768xi32, #tpu.memory_space<vmem>>, vector<16xi32>,
        %parallel_loop3A_181 = arith.constant 0 : i32
        %parallel_loop3A_182 = vector.broadcast %parallel_loop3A_181 : i32 to vector<16xi32>
        %parallel_loop3A_183 = arith.addi %parallel_loop3A_180, %parallel_loop3A_182 : vector<16xi32>
        %parallel_loop3A_184 = tpu.vector_load_idx %arg12[%parallel_loop3A_183] : memref<32768xf32, #tpu.memory_space<vmem>>[vector<16xi32>], vector<16xf32>,
        %parallel_loop3A_185 = arith.constant 32 : i32
        %parallel_loop3A_186 = arith.muli %parallel_loop3A_171, %parallel_loop3A_185 : i32
        %parallel_loop3A_187 = arith.constant 0 : i32
        %parallel_loop3A_188 = arith.addi %parallel_loop3A_187, %parallel_loop3A_186 : i32
        %parallel_loop3A_189 = arith.constant 0 : i32
        %parallel_loop3A_190 = arith.addi %parallel_loop3A_188, %parallel_loop3A_189 : i32
        %parallel_loop3A_191 = arith.index_cast %parallel_loop3A_190 : i32 to index
        %parallel_loop3A_192 = tpu.vector_load %arg13[%parallel_loop3A_191] {strides = array<i32>} : memref<16384xf32, #tpu.memory_space<vmem>>, vector<16xf32>,
        tpu.vector_store %arg13[%parallel_loop3A_191], %parallel_loop3A_184 {strides = array<i32>} : memref<16384xf32, #tpu.memory_space<vmem>>, vector<16xf32>,
        %parallel_loop3A_193 = arith.constant 8192 : i32
        %parallel_loop3A_194 = vector.broadcast %parallel_loop3A_193 : i32 to vector<16xi32>
        %parallel_loop3A_195 = arith.addi %parallel_loop3A_180, %parallel_loop3A_194 : vector<16xi32>
        %parallel_loop3A_196 = tpu.vector_load_idx %arg12[%parallel_loop3A_195] : memref<32768xf32, #tpu.memory_space<vmem>>[vector<16xi32>], vector<16xf32>,
        %parallel_loop3A_197 = arith.constant 32 : i32
        %parallel_loop3A_198 = arith.muli %parallel_loop3A_171, %parallel_loop3A_197 : i32
        %parallel_loop3A_199 = arith.constant 4096 : i32
        %parallel_loop3A_200 = arith.addi %parallel_loop3A_199, %parallel_loop3A_198 : i32
        %parallel_loop3A_201 = arith.constant 0 : i32
        %parallel_loop3A_202 = arith.addi %parallel_loop3A_200, %parallel_loop3A_201 : i32
        %parallel_loop3A_203 = arith.index_cast %parallel_loop3A_202 : i32 to index
        %parallel_loop3A_204 = tpu.vector_load %arg13[%parallel_loop3A_203] {strides = array<i32>} : memref<16384xf32, #tpu.memory_space<vmem>>, vector<16xf32>,
        tpu.vector_store %arg13[%parallel_loop3A_203], %parallel_loop3A_196 {strides = array<i32>} : memref<16384xf32, #tpu.memory_space<vmem>>, vector<16xf32>,
        %parallel_loop3A_205 = arith.constant 16384 : i32
        %parallel_loop3A_206 = vector.broadcast %parallel_loop3A_205 : i32 to vector<16xi32>
        %parallel_loop3A_207 = arith.addi %parallel_loop3A_180, %parallel_loop3A_206 : vector<16xi32>
        %parallel_loop3A_208 = tpu.vector_load_idx %arg12[%parallel_loop3A_207] : memref<32768xf32, #tpu.memory_space<vmem>>[vector<16xi32>], vector<16xf32>,
        %parallel_loop3A_209 = arith.constant 32 : i32
        %parallel_loop3A_210 = arith.muli %parallel_loop3A_171, %parallel_loop3A_209 : i32
        %parallel_loop3A_211 = arith.constant 8192 : i32
        %parallel_loop3A_212 = arith.addi %parallel_loop3A_211, %parallel_loop3A_210 : i32
        %parallel_loop3A_213 = arith.constant 0 : i32
        %parallel_loop3A_214 = arith.addi %parallel_loop3A_212, %parallel_loop3A_213 : i32
        %parallel_loop3A_215 = arith.index_cast %parallel_loop3A_214 : i32 to index
        %parallel_loop3A_216 = tpu.vector_load %arg13[%parallel_loop3A_215] {strides = array<i32>} : memref<16384xf32, #tpu.memory_space<vmem>>, vector<16xf32>,
        tpu.vector_store %arg13[%parallel_loop3A_215], %parallel_loop3A_208 {strides = array<i32>} : memref<16384xf32, #tpu.memory_space<vmem>>, vector<16xf32>,
        %parallel_loop3A_217 = arith.constant 24576 : i32
        %parallel_loop3A_218 = vector.broadcast %parallel_loop3A_217 : i32 to vector<16xi32>
        %parallel_loop3A_219 = arith.addi %parallel_loop3A_180, %parallel_loop3A_218 : vector<16xi32>
        %parallel_loop3A_220 = tpu.vector_load_idx %arg12[%parallel_loop3A_219] : memref<32768xf32, #tpu.memory_space<vmem>>[vector<16xi32>], vector<16xf32>,
        %parallel_loop3A_221 = arith.constant 32 : i32
        %parallel_loop3A_222 = arith.muli %parallel_loop3A_171, %parallel_loop3A_221 : i32
        %parallel_loop3A_223 = arith.constant 12288 : i32
        %parallel_loop3A_224 = arith.addi %parallel_loop3A_223, %parallel_loop3A_222 : i32
        %parallel_loop3A_225 = arith.constant 0 : i32
        %parallel_loop3A_226 = arith.addi %parallel_loop3A_224, %parallel_loop3A_225 : i32
        %parallel_loop3A_227 = arith.index_cast %parallel_loop3A_226 : i32 to index
        %parallel_loop3A_228 = tpu.vector_load %arg13[%parallel_loop3A_227] {strides = array<i32>} : memref<16384xf32, #tpu.memory_space<vmem>>, vector<16xf32>,
        tpu.vector_store %arg13[%parallel_loop3A_227], %parallel_loop3A_220 {strides = array<i32>} : memref<16384xf32, #tpu.memory_space<vmem>>, vector<16xf32>,
        %parallel_loop3A_229 = arith.constant 32 : i32
        %parallel_loop3A_230 = arith.muli %parallel_loop3A_174, %parallel_loop3A_229 : i32
        %parallel_loop3A_231 = arith.constant 16 : i32
        %parallel_loop3A_232 = arith.addi %parallel_loop3A_230, %parallel_loop3A_231 : i32
        %parallel_loop3A_233 = arith.index_cast %parallel_loop3A_232 : i32 to index
        %parallel_loop3A_234 = tpu.vector_load %arg11[%parallel_loop3A_233] {strides = array<i32>} : memref<32768xi32, #tpu.memory_space<vmem>>, vector<16xi32>,
        %parallel_loop3A_235 = arith.constant 0 : i32
        %parallel_loop3A_236 = vector.broadcast %parallel_loop3A_235 : i32 to vector<16xi32>
        %parallel_loop3A_237 = arith.addi %parallel_loop3A_234, %parallel_loop3A_236 : vector<16xi32>
        %parallel_loop3A_238 = tpu.vector_load_idx %arg12[%parallel_loop3A_237] : memref<32768xf32, #tpu.memory_space<vmem>>[vector<16xi32>], vector<16xf32>,
        %parallel_loop3A_239 = arith.constant 32 : i32
        %parallel_loop3A_240 = arith.muli %parallel_loop3A_171, %parallel_loop3A_239 : i32
        %parallel_loop3A_241 = arith.constant 0 : i32
        %parallel_loop3A_242 = arith.addi %parallel_loop3A_241, %parallel_loop3A_240 : i32
        %parallel_loop3A_243 = arith.constant 16 : i32
        %parallel_loop3A_244 = arith.addi %parallel_loop3A_242, %parallel_loop3A_243 : i32
        %parallel_loop3A_245 = arith.index_cast %parallel_loop3A_244 : i32 to index
        %parallel_loop3A_246 = tpu.vector_load %arg13[%parallel_loop3A_245] {strides = array<i32>} : memref<16384xf32, #tpu.memory_space<vmem>>, vector<16xf32>,
        tpu.vector_store %arg13[%parallel_loop3A_245], %parallel_loop3A_238 {strides = array<i32>} : memref<16384xf32, #tpu.memory_space<vmem>>, vector<16xf32>,
        %parallel_loop3A_247 = arith.constant 8192 : i32
        %parallel_loop3A_248 = vector.broadcast %parallel_loop3A_247 : i32 to vector<16xi32>
        %parallel_loop3A_249 = arith.addi %parallel_loop3A_234, %parallel_loop3A_248 : vector<16xi32>
        %parallel_loop3A_250 = tpu.vector_load_idx %arg12[%parallel_loop3A_249] : memref<32768xf32, #tpu.memory_space<vmem>>[vector<16xi32>], vector<16xf32>,
        %parallel_loop3A_251 = arith.constant 32 : i32
        %parallel_loop3A_252 = arith.muli %parallel_loop3A_171, %parallel_loop3A_251 : i32
        %parallel_loop3A_253 = arith.constant 4096 : i32
        %parallel_loop3A_254 = arith.addi %parallel_loop3A_253, %parallel_loop3A_252 : i32
        %parallel_loop3A_255 = arith.constant 16 : i32
        %parallel_loop3A_256 = arith.addi %parallel_loop3A_254, %parallel_loop3A_255 : i32
        %parallel_loop3A_257 = arith.index_cast %parallel_loop3A_256 : i32 to index
        %parallel_loop3A_258 = tpu.vector_load %arg13[%parallel_loop3A_257] {strides = array<i32>} : memref<16384xf32, #tpu.memory_space<vmem>>, vector<16xf32>,
        tpu.vector_store %arg13[%parallel_loop3A_257], %parallel_loop3A_250 {strides = array<i32>} : memref<16384xf32, #tpu.memory_space<vmem>>, vector<16xf32>,
        %parallel_loop3A_259 = arith.constant 16384 : i32
        %parallel_loop3A_260 = vector.broadcast %parallel_loop3A_259 : i32 to vector<16xi32>
        %parallel_loop3A_261 = arith.addi %parallel_loop3A_234, %parallel_loop3A_260 : vector<16xi32>
        %parallel_loop3A_262 = tpu.vector_load_idx %arg12[%parallel_loop3A_261] : memref<32768xf32, #tpu.memory_space<vmem>>[vector<16xi32>], vector<16xf32>,
        %parallel_loop3A_263 = arith.constant 32 : i32
        %parallel_loop3A_264 = arith.muli %parallel_loop3A_171, %parallel_loop3A_263 : i32
        %parallel_loop3A_265 = arith.constant 8192 : i32
        %parallel_loop3A_266 = arith.addi %parallel_loop3A_265, %parallel_loop3A_264 : i32
        %parallel_loop3A_267 = arith.constant 16 : i32
        %parallel_loop3A_268 = arith.addi %parallel_loop3A_266, %parallel_loop3A_267 : i32
        %parallel_loop3A_269 = arith.index_cast %parallel_loop3A_268 : i32 to index
        %parallel_loop3A_270 = tpu.vector_load %arg13[%parallel_loop3A_269] {strides = array<i32>} : memref<16384xf32, #tpu.memory_space<vmem>>, vector<16xf32>,
        tpu.vector_store %arg13[%parallel_loop3A_269], %parallel_loop3A_262 {strides = array<i32>} : memref<16384xf32, #tpu.memory_space<vmem>>, vector<16xf32>,
        %parallel_loop3A_271 = arith.constant 24576 : i32
        %parallel_loop3A_272 = vector.broadcast %parallel_loop3A_271 : i32 to vector<16xi32>
        %parallel_loop3A_273 = arith.addi %parallel_loop3A_234, %parallel_loop3A_272 : vector<16xi32>
        %parallel_loop3A_274 = tpu.vector_load_idx %arg12[%parallel_loop3A_273] : memref<32768xf32, #tpu.memory_space<vmem>>[vector<16xi32>], vector<16xf32>,
        %parallel_loop3A_275 = arith.constant 32 : i32
        %parallel_loop3A_276 = arith.muli %parallel_loop3A_171, %parallel_loop3A_275 : i32
        %parallel_loop3A_277 = arith.constant 12288 : i32
        %parallel_loop3A_278 = arith.addi %parallel_loop3A_277, %parallel_loop3A_276 : i32
        %parallel_loop3A_279 = arith.constant 16 : i32
        %parallel_loop3A_280 = arith.addi %parallel_loop3A_278, %parallel_loop3A_279 : i32
        %parallel_loop3A_281 = arith.index_cast %parallel_loop3A_280 : i32 to index
        %parallel_loop3A_282 = tpu.vector_load %arg13[%parallel_loop3A_281] {strides = array<i32>} : memref<16384xf32, #tpu.memory_space<vmem>>, vector<16xf32>,
        tpu.vector_store %arg13[%parallel_loop3A_281], %parallel_loop3A_274 {strides = array<i32>} : memref<16384xf32, #tpu.memory_space<vmem>>, vector<16xf32>,
      } {sc.loop_unroll_factor = 4 : i64, sc.parallel_access}
      %mul3A_130 = arith.constant 4 : i32
      %mul3A_131 = arith.muli %arg1, %mul3A_130 : i32
      %add3A_132 = arith.constant 0 : i32
      %add3A_133 = arith.addi %mul3A_131, %add3A_132 : i32
      %add3A_134 = arith.constant 3 : i32
      %add3A_135 = arith.addi %add3A_134, %add3A_133 : i32
      %mul3A_136 = arith.constant 128 : i32
      %mul3A_137 = arith.muli %scan3A_125, %mul3A_136 : i32
      %mul3A_138 = arith.constant 32 : i32
      %mul3A_139 = arith.muli %mul3A_137, %mul3A_138 : i32
      "tpu.region"() ({
        %run_scoped3A_171 = tpu.sem_alloc : memref<!tpu.dma_semaphore, #tpu.memory_space<semaphore_mem>>
        %dma_start3A_172 = arith.constant 0 : i32
        %dma_start3A_173 = tpu.memref_slice %arg13[%dma_start3A_172] : memref<16384xf32, #tpu.memory_space<vmem>> -> memref<4096xf32, #tpu.memory_space<vmem>>
        %dma_start3A_174 = tpu.memref_slice %arg5[%arg0, %add3A_135, %mul3A_139] : memref<2x67x32768xf32, #tpu.memory_space<hbm>> -> memref<1x1x4096xf32, #tpu.memory_space<hbm>>
        %dma_start3A_175 = tpu.memref_squeeze %dma_start3A_174 : memref<1x1x4096xf32, #tpu.memory_space<hbm>> -> memref<4096xf32, #tpu.memory_space<hbm>>
        %dma_start3A_176 = tpu.memref_slice %arg5[%arg0, %add3A_135, %mul3A_139] : memref<2x67x32768xf32, #tpu.memory_space<hbm>> -> memref<1x1x4096xf32, #tpu.memory_space<hbm>>
        %dma_start3A_177 = tpu.memref_squeeze %dma_start3A_176 : memref<1x1x4096xf32, #tpu.memory_space<hbm>> -> memref<4096xf32, #tpu.memory_space<hbm>>
        %dma_start3A_178 = arith.constant 0 : i32
        %dma_start3A_179 = tpu.memref_slice %arg13[%dma_start3A_178] : memref<16384xf32, #tpu.memory_space<vmem>> -> memref<4096xf32, #tpu.memory_space<vmem>>
        tpu.enqueue_dma source(%dma_start3A_179 : memref<4096xf32, #tpu.memory_space<vmem>>) target(%dma_start3A_177 : memref<4096xf32, #tpu.memory_space<hbm>>) target_semaphore(%run_scoped3A_171 : memref<!tpu.dma_semaphore, #tpu.memory_space<semaphore_mem>>)
        %dma_wait3A_180 = arith.constant 0 : i32
        %dma_wait3A_181 = tpu.memref_slice %arg13[%dma_wait3A_180] : memref<16384xf32, #tpu.memory_space<vmem>> -> memref<4096xf32, #tpu.memory_space<vmem>>
        %dma_wait3A_182 = tpu.memref_slice %arg5[%arg0, %add3A_135, %mul3A_139] : memref<2x67x32768xf32, #tpu.memory_space<hbm>> -> memref<1x1x4096xf32, #tpu.memory_space<hbm>>
        %dma_wait3A_183 = tpu.memref_squeeze %dma_wait3A_182 : memref<1x1x4096xf32, #tpu.memory_space<hbm>> -> memref<4096xf32, #tpu.memory_space<hbm>>
        %dma_wait3A_184 = tpu.memref_slice %arg5[%arg0, %add3A_135, %mul3A_139] : memref<2x67x32768xf32, #tpu.memory_space<hbm>> -> memref<1x1x4096xf32, #tpu.memory_space<hbm>>
        %dma_wait3A_185 = tpu.memref_squeeze %dma_wait3A_184 : memref<1x1x4096xf32, #tpu.memory_space<hbm>> -> memref<4096xf32, #tpu.memory_space<hbm>>
        %dma_wait3A_186 = arith.constant 0 : i32
        %dma_wait3A_187 = tpu.memref_slice %arg13[%dma_wait3A_186] : memref<16384xf32, #tpu.memory_space<vmem>> -> memref<4096xf32, #tpu.memory_space<vmem>>
        tpu.wait_dma2 semaphore(%run_scoped3A_171 : memref<!tpu.dma_semaphore, #tpu.memory_space<semaphore_mem>>) src(%dma_wait3A_187 : memref<4096xf32, #tpu.memory_space<vmem>>) dst(%dma_wait3A_185 : memref<4096xf32, #tpu.memory_space<hbm>>)
        tpu.yield
      }) : () -> ()
      %mul3A_140 = arith.constant 4 : i32
      %mul3A_141 = arith.muli %arg1, %mul3A_140 : i32
      %add3A_142 = arith.constant 1 : i32
      %add3A_143 = arith.addi %mul3A_141, %add3A_142 : i32
      %add3A_144 = arith.constant 3 : i32
      %add3A_145 = arith.addi %add3A_144, %add3A_143 : i32
      %mul3A_146 = arith.constant 128 : i32
      %mul3A_147 = arith.muli %scan3A_125, %mul3A_146 : i32
      %mul3A_148 = arith.constant 32 : i32
      %mul3A_149 = arith.muli %mul3A_147, %mul3A_148 : i32
      "tpu.region"() ({
        %run_scoped3A_171 = tpu.sem_alloc : memref<!tpu.dma_semaphore, #tpu.memory_space<semaphore_mem>>
        %dma_start3A_172 = arith.constant 4096 : i32
        %dma_start3A_173 = tpu.memref_slice %arg13[%dma_start3A_172] : memref<16384xf32, #tpu.memory_space<vmem>> -> memref<4096xf32, #tpu.memory_space<vmem>>
        %dma_start3A_174 = tpu.memref_slice %arg5[%arg0, %add3A_145, %mul3A_149] : memref<2x67x32768xf32, #tpu.memory_space<hbm>> -> memref<1x1x4096xf32, #tpu.memory_space<hbm>>
        %dma_start3A_175 = tpu.memref_squeeze %dma_start3A_174 : memref<1x1x4096xf32, #tpu.memory_space<hbm>> -> memref<4096xf32, #tpu.memory_space<hbm>>
        %dma_start3A_176 = tpu.memref_slice %arg5[%arg0, %add3A_145, %mul3A_149] : memref<2x67x32768xf32, #tpu.memory_space<hbm>> -> memref<1x1x4096xf32, #tpu.memory_space<hbm>>
        %dma_start3A_177 = tpu.memref_squeeze %dma_start3A_176 : memref<1x1x4096xf32, #tpu.memory_space<hbm>> -> memref<4096xf32, #tpu.memory_space<hbm>>
        %dma_start3A_178 = arith.constant 4096 : i32
        %dma_start3A_179 = tpu.memref_slice %arg13[%dma_start3A_178] : memref<16384xf32, #tpu.memory_space<vmem>> -> memref<4096xf32, #tpu.memory_space<vmem>>
        tpu.enqueue_dma source(%dma_start3A_179 : memref<4096xf32, #tpu.memory_space<vmem>>) target(%dma_start3A_177 : memref<4096xf32, #tpu.memory_space<hbm>>) target_semaphore(%run_scoped3A_171 : memref<!tpu.dma_semaphore, #tpu.memory_space<semaphore_mem>>)
        %dma_wait3A_180 = arith.constant 4096 : i32
        %dma_wait3A_181 = tpu.memref_slice %arg13[%dma_wait3A_180] : memref<16384xf32, #tpu.memory_space<vmem>> -> memref<4096xf32, #tpu.memory_space<vmem>>
        %dma_wait3A_182 = tpu.memref_slice %arg5[%arg0, %add3A_145, %mul3A_149] : memref<2x67x32768xf32, #tpu.memory_space<hbm>> -> memref<1x1x4096xf32, #tpu.memory_space<hbm>>
        %dma_wait3A_183 = tpu.memref_squeeze %dma_wait3A_182 : memref<1x1x4096xf32, #tpu.memory_space<hbm>> -> memref<4096xf32, #tpu.memory_space<hbm>>
        %dma_wait3A_184 = tpu.memref_slice %arg5[%arg0, %add3A_145, %mul3A_149] : memref<2x67x32768xf32, #tpu.memory_space<hbm>> -> memref<1x1x4096xf32, #tpu.memory_space<hbm>>
        %dma_wait3A_185 = tpu.memref_squeeze %dma_wait3A_184 : memref<1x1x4096xf32, #tpu.memory_space<hbm>> -> memref<4096xf32, #tpu.memory_space<hbm>>
        %dma_wait3A_186 = arith.constant 4096 : i32
        %dma_wait3A_187 = tpu.memref_slice %arg13[%dma_wait3A_186] : memref<16384xf32, #tpu.memory_space<vmem>> -> memref<4096xf32, #tpu.memory_space<vmem>>
        tpu.wait_dma2 semaphore(%run_scoped3A_171 : memref<!tpu.dma_semaphore, #tpu.memory_space<semaphore_mem>>) src(%dma_wait3A_187 : memref<4096xf32, #tpu.memory_space<vmem>>) dst(%dma_wait3A_185 : memref<4096xf32, #tpu.memory_space<hbm>>)
        tpu.yield
      }) : () -> ()
      %mul3A_150 = arith.constant 4 : i32
      %mul3A_151 = arith.muli %arg1, %mul3A_150 : i32
      %add3A_152 = arith.constant 2 : i32
      %add3A_153 = arith.addi %mul3A_151, %add3A_152 : i32
      %add3A_154 = arith.constant 3 : i32
      %add3A_155 = arith.addi %add3A_154, %add3A_153 : i32
      %mul3A_156 = arith.constant 128 : i32
      %mul3A_157 = arith.muli %scan3A_125, %mul3A_156 : i32
      %mul3A_158 = arith.constant 32 : i32
      %mul3A_159 = arith.muli %mul3A_157, %mul3A_158 : i32
      "tpu.region"() ({
        %run_scoped3A_171 = tpu.sem_alloc : memref<!tpu.dma_semaphore, #tpu.memory_space<semaphore_mem>>
        %dma_start3A_172 = arith.constant 8192 : i32
        %dma_start3A_173 = tpu.memref_slice %arg13[%dma_start3A_172] : memref<16384xf32, #tpu.memory_space<vmem>> -> memref<4096xf32, #tpu.memory_space<vmem>>
        %dma_start3A_174 = tpu.memref_slice %arg5[%arg0, %add3A_155, %mul3A_159] : memref<2x67x32768xf32, #tpu.memory_space<hbm>> -> memref<1x1x4096xf32, #tpu.memory_space<hbm>>
        %dma_start3A_175 = tpu.memref_squeeze %dma_start3A_174 : memref<1x1x4096xf32, #tpu.memory_space<hbm>> -> memref<4096xf32, #tpu.memory_space<hbm>>
        %dma_start3A_176 = tpu.memref_slice %arg5[%arg0, %add3A_155, %mul3A_159] : memref<2x67x32768xf32, #tpu.memory_space<hbm>> -> memref<1x1x4096xf32, #tpu.memory_space<hbm>>
        %dma_start3A_177 = tpu.memref_squeeze %dma_start3A_176 : memref<1x1x4096xf32, #tpu.memory_space<hbm>> -> memref<4096xf32, #tpu.memory_space<hbm>>
        %dma_start3A_178 = arith.constant 8192 : i32
        %dma_start3A_179 = tpu.memref_slice %arg13[%dma_start3A_178] : memref<16384xf32, #tpu.memory_space<vmem>> -> memref<4096xf32, #tpu.memory_space<vmem>>
        tpu.enqueue_dma source(%dma_start3A_179 : memref<4096xf32, #tpu.memory_space<vmem>>) target(%dma_start3A_177 : memref<4096xf32, #tpu.memory_space<hbm>>) target_semaphore(%run_scoped3A_171 : memref<!tpu.dma_semaphore, #tpu.memory_space<semaphore_mem>>)
        %dma_wait3A_180 = arith.constant 8192 : i32
        %dma_wait3A_181 = tpu.memref_slice %arg13[%dma_wait3A_180] : memref<16384xf32, #tpu.memory_space<vmem>> -> memref<4096xf32, #tpu.memory_space<vmem>>
        %dma_wait3A_182 = tpu.memref_slice %arg5[%arg0, %add3A_155, %mul3A_159] : memref<2x67x32768xf32, #tpu.memory_space<hbm>> -> memref<1x1x4096xf32, #tpu.memory_space<hbm>>
        %dma_wait3A_183 = tpu.memref_squeeze %dma_wait3A_182 : memref<1x1x4096xf32, #tpu.memory_space<hbm>> -> memref<4096xf32, #tpu.memory_space<hbm>>
        %dma_wait3A_184 = tpu.memref_slice %arg5[%arg0, %add3A_155, %mul3A_159] : memref<2x67x32768xf32, #tpu.memory_space<hbm>> -> memref<1x1x4096xf32, #tpu.memory_space<hbm>>
        %dma_wait3A_185 = tpu.memref_squeeze %dma_wait3A_184 : memref<1x1x4096xf32, #tpu.memory_space<hbm>> -> memref<4096xf32, #tpu.memory_space<hbm>>
        %dma_wait3A_186 = arith.constant 8192 : i32
        %dma_wait3A_187 = tpu.memref_slice %arg13[%dma_wait3A_186] : memref<16384xf32, #tpu.memory_space<vmem>> -> memref<4096xf32, #tpu.memory_space<vmem>>
        tpu.wait_dma2 semaphore(%run_scoped3A_171 : memref<!tpu.dma_semaphore, #tpu.memory_space<semaphore_mem>>) src(%dma_wait3A_187 : memref<4096xf32, #tpu.memory_space<vmem>>) dst(%dma_wait3A_185 : memref<4096xf32, #tpu.memory_space<hbm>>)
        tpu.yield
      }) : () -> ()
      %mul3A_160 = arith.constant 4 : i32
      %mul3A_161 = arith.muli %arg1, %mul3A_160 : i32
      %add3A_162 = arith.constant 3 : i32
      %add3A_163 = arith.addi %mul3A_161, %add3A_162 : i32
      %add3A_164 = arith.constant 3 : i32
      %add3A_165 = arith.addi %add3A_164, %add3A_163 : i32
      %mul3A_166 = arith.constant 128 : i32
      %mul3A_167 = arith.muli %scan3A_125, %mul3A_166 : i32
      %mul3A_168 = arith.constant 32 : i32
      %mul3A_169 = arith.muli %mul3A_167, %mul3A_168 : i32
      "tpu.region"() ({
        %run_scoped3A_171 = tpu.sem_alloc : memref<!tpu.dma_semaphore, #tpu.memory_space<semaphore_mem>>
        %dma_start3A_172 = arith.constant 12288 : i32
        %dma_start3A_173 = tpu.memref_slice %arg13[%dma_start3A_172] : memref<16384xf32, #tpu.memory_space<vmem>> -> memref<4096xf32, #tpu.memory_space<vmem>>
        %dma_start3A_174 = tpu.memref_slice %arg5[%arg0, %add3A_165, %mul3A_169] : memref<2x67x32768xf32, #tpu.memory_space<hbm>> -> memref<1x1x4096xf32, #tpu.memory_space<hbm>>
        %dma_start3A_175 = tpu.memref_squeeze %dma_start3A_174 : memref<1x1x4096xf32, #tpu.memory_space<hbm>> -> memref<4096xf32, #tpu.memory_space<hbm>>
        %dma_start3A_176 = tpu.memref_slice %arg5[%arg0, %add3A_165, %mul3A_169] : memref<2x67x32768xf32, #tpu.memory_space<hbm>> -> memref<1x1x4096xf32, #tpu.memory_space<hbm>>
        %dma_start3A_177 = tpu.memref_squeeze %dma_start3A_176 : memref<1x1x4096xf32, #tpu.memory_space<hbm>> -> memref<4096xf32, #tpu.memory_space<hbm>>
        %dma_start3A_178 = arith.constant 12288 : i32
        %dma_start3A_179 = tpu.memref_slice %arg13[%dma_start3A_178] : memref<16384xf32, #tpu.memory_space<vmem>> -> memref<4096xf32, #tpu.memory_space<vmem>>
        tpu.enqueue_dma source(%dma_start3A_179 : memref<4096xf32, #tpu.memory_space<vmem>>) target(%dma_start3A_177 : memref<4096xf32, #tpu.memory_space<hbm>>) target_semaphore(%run_scoped3A_171 : memref<!tpu.dma_semaphore, #tpu.memory_space<semaphore_mem>>)
        %dma_wait3A_180 = arith.constant 12288 : i32
        %dma_wait3A_181 = tpu.memref_slice %arg13[%dma_wait3A_180] : memref<16384xf32, #tpu.memory_space<vmem>> -> memref<4096xf32, #tpu.memory_space<vmem>>
        %dma_wait3A_182 = tpu.memref_slice %arg5[%arg0, %add3A_165, %mul3A_169] : memref<2x67x32768xf32, #tpu.memory_space<hbm>> -> memref<1x1x4096xf32, #tpu.memory_space<hbm>>
        %dma_wait3A_183 = tpu.memref_squeeze %dma_wait3A_182 : memref<1x1x4096xf32, #tpu.memory_space<hbm>> -> memref<4096xf32, #tpu.memory_space<hbm>>
        %dma_wait3A_184 = tpu.memref_slice %arg5[%arg0, %add3A_165, %mul3A_169] : memref<2x67x32768xf32, #tpu.memory_space<hbm>> -> memref<1x1x4096xf32, #tpu.memory_space<hbm>>
        %dma_wait3A_185 = tpu.memref_squeeze %dma_wait3A_184 : memref<1x1x4096xf32, #tpu.memory_space<hbm>> -> memref<4096xf32, #tpu.memory_space<hbm>>
        %dma_wait3A_186 = arith.constant 12288 : i32
        %dma_wait3A_187 = tpu.memref_slice %arg13[%dma_wait3A_186] : memref<16384xf32, #tpu.memory_space<vmem>> -> memref<4096xf32, #tpu.memory_space<vmem>>
        tpu.wait_dma2 semaphore(%run_scoped3A_171 : memref<!tpu.dma_semaphore, #tpu.memory_space<semaphore_mem>>) src(%dma_wait3A_187 : memref<4096xf32, #tpu.memory_space<vmem>>) dst(%dma_wait3A_185 : memref<4096xf32, #tpu.memory_space<hbm>>)
        tpu.yield
      }) : () -> ()
      %scan3A_170 = arith.constant 0 : i32
      scf.yield %scan3A_170 : i32
    }
    %scan3A_124 = arith.constant 8 : i32
    return
  }
}

</mosaic_0001>

<sc_bundles>
// kernel: kernel.3.cloned.1.call-start
scs
__scs_entry_jumppad:
0x0: {  	(pc) =	sbr.rel $0x88, $3  }
0x1: {  	(tag) =	ssettag $0x0;
	lr =	simm.s32 $0x1  }
0x2: {  	[smem:$0x3F9E] =	sst lr;
	_ =	strace $0xD0000000  }
0x3: {  	_ = 	snop  }
0x4: {  	_ = 	snop  }
0x5: {  	_ = 	snop  }
0x6: {  	_ = 	snop  }
0x7: {  	_ = 	snop  }
__scs_overlays_trampoline_lowered:
0x8: {  	[smem:$0x3FAD] =	sst s0  }
0x9: {  	[smem:$0x3FAE] =	sst s1  }
0xa: {  	[smem:$0x3FAF] =	sst s2  }
0xb: {  	[smem:$0x3FB0] =	sst s3  }
0xc: {  	[smem:$0x3FB1] =	sst s4  }
0xd: {  	[smem:$0x3FB2] =	sst s5  }
0xe: {  	[smem:$0x3FB3] =	sst s6  }
0xf: {  	[smem:$0x3FB4] =	sst s7  }
0x10: {  	[smem:$0x3FB5] =	sst s8  }
0x11: {  	[smem:$0x3FB6] =	sst s9;
	s0 =	simm.s32 @!p0 $0x0  }
0x12: {  	s1 =	sld [smem:$0x3F9C];
	s0 =	simm.s32 @p0 $0x1  }
0x13: {  	[smem:$0x3FB7] =	sst s0;
	s0 =	simm.s32 @!p1 $0x0  }
0x14: {  	s2 =	sld [smem:$0x3F9B];
	s0 =	simm.s32 @p1 $0x1  }
0x15: {  	[smem:$0x3FB8] =	sst s0;
	s0 =	simm.s32 @!p2 $0x0  }
0x16: {  	s3 =	sld [smem:$0x3FDB];
	s0 =	simm.s32 @p2 $0x1  }
0x17: {  	s4 =	simm.s32 $0x1BF5;
	[smem:$0x3FBA] =	sst s0  }
0x18: {  	s0 =	sld [smem:$0x3F9D];
	_ =	swait.ge [sflag:s4], $0x0  }
0x19: {  	s7 =	sld [smem:$0x3F9E]  }
0x1a: {  	s8 =	sadd.s32 $0xFFFFE003, lr  }
0x1b: {  	s9 =	sadd.s32 $0xFFFFFEF7, lr;
	s5 =	simm.s32 $0xFFFFFFFF;
	p2 =	slt.u32 s8, $0xFFFFF086  }
0x1c: {  	p1 =	slt.u32 s9, $0xF7A;
	s5 =	simm.s32 @!p2 $0x0  }
0x1d: {  	s5 =	simm.s32 @p1 $0x1;
	p0 =	seq.s32 s7, s2  }
0x1e: {  	s7 =	smul.u32 @!p0 $0xF7A, s2;
	p2 =	seq.s32 @!p0 s5, $0x0  }
0x1f: {  	s9 =	smul.u32 $0xF7A, s1;
	s8 =	simm.s32 @!p0 $0x1BF5;
	p2 =	por !p2, p0  }
0x20: {  	[sflag:s8] =	ssyncset.s32 @!p0 $0xFFFFF086;
	s6 =	sadd.s32 @!p0 s3, s7;
	s7 =	simm.s32 @!p0 $0x108  }
0x21: {  	s3 =	sadd.s32 s3, s9;
	s6 =	sadd.s32 @!p0 $0x88, s6;
	s7 =	simm.s32 @p2 $0x1082  }
0x22: {  	[simem:s7], [sflag:s8] =	dma.local @!p0 [hbm:s6], $0xF7A  }
0x23: {  	s9 =	sor.u32 $0xD0000000, s2;
	s6 =	simm.s32 $0x108;
	_ =	swait.ge @!p0 [sflag:s8], $0x0  }
0x24: {  	s3 =	sadd.s32 $0x88, s3;
	s6 =	simm.s32 @!p1 $0x1082;
	[sflag:s4] =	ssyncset.s32 $0xFFFFF086  }
0x25: {  	[simem:s6], [sflag:s4] =	dma.local [hbm:s3], $0xF7A  }
0x26: {  	[smem:$0x3F9E] =	sst s1;
	(tag) =	ssettag s2;
	_ =	strace s9  }
0x27: {  	s1 =	sld [smem:$0x3FAE]  }
0x28: {  	s2 =	sld [smem:$0x3FAF]  }
0x29: {  	s4 =	sld [smem:$0x3FB1]  }
0x2a: {  	p0 =	seq.s32 s5, $0x0;
	s5 =	sld [smem:$0x3FB2]  }
0x2b: {  	s6 =	sld [smem:$0x3FB3]  }
0x2c: {  	s7 =	sld [smem:$0x3FB4]  }
0x2d: {  	s3 =	simm.s32 $0x108;
	s8 =	sld [smem:$0x3FB5]  }
0x2e: {  	s3 =	simm.s32 @!p0 $0x1082;
	s9 =	sld [smem:$0x3FB6]  }
0x2f: {  	lr =	sadd.s32 s0, s3;
	s0 =	sld [smem:$0x3FAD]  }
0x30: {  	s3 =	sld [smem:$0x3FB0]  }
0x31: {  	[smem:$0x3FB9] =	sst s10  }
0x32: {  	s10 =	sld [smem:$0x3FB7];
	_ =	sdelay $0x3  }
0x33: {  	p0 =	seq.s32 s10, $0x1;
	s10 =	sld [smem:$0x3FB9];
	_ =	sdelay $0x3  }
0x34: {  	[smem:$0x3FB9] =	sst s10  }
0x35: {  	s10 =	sld [smem:$0x3FB8];
	_ =	sdelay $0x3  }
0x36: {  	p1 =	seq.s32 s10, $0x1;
	s10 =	sld [smem:$0x3FB9];
	_ =	sdelay $0x3  }
0x37: {  	[smem:$0x3FB9] =	sst s10  }
0x38: {  	s10 =	sld [smem:$0x3FBA]  }
0x39: {  	_ = 	snop;
	(pc) =	sbr.ind lr, $3  }
0x3a: {  	_ = 	snop  }
0x3b: {  	_ = 	snop  }
0x3c: {  	p2 =	seq.s32 s10, $0x1;
	s10 =	sld [smem:$0x3FB9]  }
0x3d: {  	_ =	shalt  }
0x3e: {  	_ =	shalt  }
0x3f: {  	_ =	shalt  }
0x40: {  	_ =	shalt  }
0x41: {  	_ =	shalt  }
0x42: {  	_ =	shalt  }
0x43: {  	_ =	shalt  }
0x44: {  	_ =	shalt  }
0x45: {  	_ =	shalt  }
0x46: {  	_ =	shalt  }
0x47: {  	_ =	shalt  }
0x48: {  	_ =	shalt  }
0x49: {  	_ =	shalt  }
0x4a: {  	_ =	shalt  }
0x4b: {  	_ =	shalt  }
0x4c: {  	_ =	shalt  }
0x4d: {  	_ =	shalt  }
0x4e: {  	_ =	shalt  }
0x4f: {  	_ =	shalt  }
0x50: {  	_ =	shalt  }
0x51: {  	_ =	shalt  }
0x52: {  	_ =	shalt  }
0x53: {  	_ =	shalt  }
0x54: {  	_ =	shalt  }
0x55: {  	_ =	shalt  }
0x56: {  	_ =	shalt  }
0x57: {  	_ =	shalt  }
0x58: {  	_ =	shalt  }
0x59: {  	_ =	shalt  }
0x5a: {  	_ =	shalt  }
0x5b: {  	_ =	shalt  }
0x5c: {  	_ =	shalt  }
0x5d: {  	_ =	shalt  }
0x5e: {  	_ =	shalt  }
0x5f: {  	_ =	shalt  }
0x60: {  	_ =	shalt  }
0x61: {  	_ =	shalt  }
0x62: {  	_ =	shalt  }
0x63: {  	_ =	shalt  }
0x64: {  	_ =	shalt  }
0x65: {  	_ =	shalt  }
0x66: {  	_ =	shalt  }
0x67: {  	_ =	shalt  }
0x68: {  	_ =	shalt  }
0x69: {  	_ =	shalt  }
0x6a: {  	_ =	shalt  }
0x6b: {  	_ =	shalt  }
0x6c: {  	_ =	shalt  }
0x6d: {  	_ =	shalt  }
0x6e: {  	_ =	shalt  }
0x6f: {  	_ =	shalt  }
0x70: {  	_ =	shalt  }
0x71: {  	_ =	shalt  }
0x72: {  	_ =	shalt  }
0x73: {  	_ =	shalt  }
0x74: {  	_ =	shalt  }
0x75: {  	_ =	shalt  }
0x76: {  	_ =	shalt  }
0x77: {  	_ =	shalt  }
0x78: {  	_ =	shalt  }
0x79: {  	_ =	shalt  }
0x7a: {  	_ =	shalt  }
0x7b: {  	_ =	shalt  }
0x7c: {  	_ =	shalt  }
0x7d: {  	_ =	shalt  }
0x7e: {  	_ =	shalt  }
0x7f: {  	_ =	shalt  }
0x80: {  	_ =	shalt  }
0x81: {  	_ =	shalt  }
0x82: {  	_ =	shalt  }
0x83: {  	_ =	shalt  }
0x84: {  	_ =	shalt  }
0x85: {  	_ =	shalt  }
0x86: {  	_ =	shalt  }
0x87: {  	_ =	shalt  }
.Lfunc_end0:
.L_simem_size_0:
called_computation_lowered:
.L_overlay_start_0:
0x88: {  	s2 =	sld [smem:$0x3FD9]  }
0x89: {  	s3 =	sld [smem:$0x3FFE];
	_ =	sdelay $0x1  }
0x8a: {  	s1 =	srdreg.scid  }
0x8b: {  	s0 =	sand.u32 $0x1, s1  }
0x8c: {  	s17 =	sshll.u32 s0, $0xA;
	s2 =	sadd.s32 s3, s2  }
0x8d: {  	s2 =	sadd.s32 s2, s17  }
0x8e: {  	[smem:$0x3FC5] =	sst s2  }
0x8f: {  	_ = 	snop  }
0x90: {  	s2 =	sld [smem:$0x3FC9]  }
0x91: {  	s18 =	sld [smem:$0x3FC8]  }
0x92: {  	s4 =	sld [smem:$0x3FC7];
	(tm) =	ssettm $0x1  }
0x93: {  	s5 =	sld [smem:$0x3FFB];
	_ =	sdelay $0x3  }
0x94: {  	_ =	strace s5  }
0x95: {  	s5 =	sld [smem:$0x3FFC];
	_ =	sdelay $0x3  }
0x96: {  	_ =	strace s5  }
0x97: {  	s5 =	sld [smem:$0x3FFD];
	_ =	sdelay $0x3  }
0x98: {  	_ =	strace s5  }
0x99: {  	_ =	strace $0x8FFFFFFF  }
0x9a: {  	s19 =	sld [smem:$0x3FDB];
	_ =	sdelay $0x1  }
0x9b: {  	s6 =	simm.s32 $_scs_section_size  }
0x9c: {  	s7 =	simm.s32 $_size__tile_overlayer_lowered;
	s8 =	simm.s32 $_tile_overlayer_lowered  }
0x9d: {  	s22 =	simm.s32 $0x1BFF;
	s21 =	sshll.u32 s8, $0x1;
	s5 =	sadd.s32 s6, s19  }
0x9e: {  	s9 =	simm.s32 $0x0;
	s20 =	sshll.u32 s7, $0x1;
	s7 =	sadd.s32 s21, s5  }
0x9f: {  	[timem:s9], [sflag:s22] =	dma.local [hbm:s7], s20  }
0xa0: {  	_ =	swait.ge [sflag:s22], s20  }
0xa1: {  	s6 =	ssub.s32 $0x0, s20;
	[sflag:s22] =	ssyncset.done $0x0  }
0xa2: {  	[sflag:s22] =	ssyncadd.s32 s6;
	_ =	sdelay $0x1  }
0xa3: {  	s23 =	simm.s32 $0x1B8B  }
0xa4: {  	_ =	swait.ge [sflag:s23], $0x1  }
0xa5: {  	[sflag:s23] =	ssyncset.done $0x0  }
0xa6: {  	s25 =	simm.s32 $0x1B8E;
	s24 =	sld [smem:$0x3FFE];
	[sflag:s23] =	ssyncadd.s32 $0xFFFFFFFF  }
0xa7: {  	s26 =	simm.s32 $execute0_lowered;
	[smem:$0x3FD2] =	sst s25  }
0xa8: {  	s7 =	sshll.u32 s26, $0x1;
	_ =	strace $0x80000046;
	[dreg:$0x1] =	wrdreg $0xFFFFFFFF  }
0xa9: {  	s28 =	simm.s32 $_size_execute0_lowered;
	s5 =	sadd.s32 s5, s7;
	[dreg:$0x0] =	wrdreg $0x0  }
0xaa: {  	s7 =	sshll.u32 s28, $0x1;
	[dreg:$0x2] =	wrdreg s5  }
0xab: {  	[dreg:$0x3] =	wrdreg s7  }
0xac: {  	[dreg:$0x4] =	wrdreg $0xC0  }
0xad: {  	_ =	task [dreg:s9], $0x5FFFF  }
0xae: {  	[dreg:$0x1] =	wrdreg $0xFFFFFFFF  }
0xaf: {  	[dreg:$0x0] =	wrdreg $0x60  }
0xb0: {  	[dreg:$0x2] =	wrdreg s2  }
0xb1: {  	[dreg:$0x3] =	wrdreg s18  }
0xb2: {  	[dreg:$0x4] =	wrdreg s4  }
0xb3: {  	[dreg:$0x5] =	wrdreg s24  }
0xb4: {  	[dreg:$0x6] =	wrdreg $0x75000  }
0xb5: {  	[dreg:$0x7] =	wrdreg $0x9  }
0xb6: {  	_ =	task.clear_ibuf [dreg:s9], $0x8FFFF;
	_ =	strace $0x90000046  }
0xb7: {  	s29 =	simm.s32 $0x9;
	_ =	strace $0x80000048  }
0xb8: {  	_ =	swait.ge [sflag:s29], $0x1  }
0xb9: {  	[sflag:s29] =	ssyncadd.s32 $0xFFFFFFFF  }
0xba: {  	_ =	strace $0x90000048  }
0xbb: {  	_ =	sfence  }
0xbc: {  	s30 =	sld [smem:$0x0];
	_ =	sdelay $0x2  }
0xbd: {  	s31 =	sshll.u32 s1, $0xD;
	s1 =	sshrl.u32 s1, $0x2  }
0xbe: {  	s3 =	sand.u32 $0x4000, s31;
	s1 =	sadd.s32 s1, s30  }
0xbf: {  	s0 =	sor.u32 s3, s0;
	s1 =	sshll.u32 s1, $0x11  }
0xc0: {  	s0 =	sor.u32 s1, s0  }
0xc1: {  	s0 =	sadd.s32 $0x8F2B, s0  }
0xc2: {  	[sflag:s0] =	ssyncadd.remote.s32 $0x1  }
0xc3: {  	_ =	sfence.sel $0xFFFF  }
0xc4: {  	[dreg:$0x0] =	wrdreg $0xFFFFFFFF;
	(pc) =	sbr.abs _section_cstart, $3  }
0xc5: {  	[dreg:$0x1] =	wrdreg $0xFFFFFFFF  }
0xc6: {  	_ =	task.clear_ibuf [dreg:s9], $0x2FFFF;
	_ =	strace $0x9FFFFFFF  }
0xc7: {  	(tm) =	ssettm $0x7FFFFFFF  }
tec
execute0_lowered:
.L_overlay_start_1:
0x0: {  	(tag) =	ssettag $0x1  }
0x1: {  	s0 =	rddreg [dreg:$0x0]  }
0x2: {  	s1 =	rddreg [dreg:$0x1]  }
0x3: {  	s2 =	rddreg [dreg:$0x2]  }
0x4: {  	s4 =	rddreg [dreg:$0x3]  }
0x5: {  	s13 =	rddreg [dreg:$0x4];
	s3 =	simm.s32 $0x0;
	s5 =	srdreg.scid  }
0x6: {  	s14 =	stileid.u32;
	s29 =	simm.s32 $0x2;
	s30 =	simm.s32 $0x6000  }
0x7: {  	[smem:$0x7FF] =	sst s3;
	s4 =	sadd.s32 $0x400, s4;
	s5 =	sand.u32 $0x1, s5  }
0x8: {  	s6 =	sshll.u32 s14, $0xF;
	s8 =	sshll.u32 s14, $0x9;
	s12 =	sshrl.u32 s14, $0x1  }
0x9: {  	s25 =	sshll.u32 s14, $0x2;
	s16 =	sshll.u32 s14, $0xB;
	_ =	strace $0x80000047  }
0xa: {  	s7 =	sshll.u32 s5, $0x13;
	s6 =	sand.u32 $0x70000, s6;
	s9 =	ssub.s32 $0x2, s5  }
0xb: {  	s8 =	sand.u32 $0x200, s8;
	s23 =	sshll.u32 s12, $0x10;
	s31 =	smul.u32 $0x240000, s5  }
0xc: {  	s5 =	sshll.u32 s5, $0x4;
	s18 =	sadd.s32 $0x4, s25;
	s21 =	sshll.u32 s12, $0x12  }
0xd: {  	s22 =	sadd.s32 $0x5, s25;
	s6 =	sor.u32 s7, s6;
	s10 =	sshrl.u32 s9, $0x1  }
0xe: {  	s24 =	sor.u32 $0x180, s8;
	s7 =	sor.u32 s7, s23;
	s0 =	sadd.s32 s0, s5  }
0xf: {  	s20 =	sshll.u32 s18, $0xF;
	s23 =	sshll.u32 s22, $0x7;
	s6 =	sor.u32 s8, s6  }
0x10: {  	s9 =	ssub.s32 s9, s10;
	s7 =	sor.u32 s24, s7;
	s6 =	sshrl.u32 s6, $0x3  }
0x11: {  	[dreg:$0xa] =	wrdreg s0;
	s7 =	sshrl.u32 s7, $0x3;
	s11 =	sadd.s32 s2, s6  }
0x12: {  	s2 =	sadd.s32 s2, s7;
	s7 =	sshll.u32 s14, $0xE;
	[dreg:$0x6] =	wrdreg s11  }
0x13: {  	s6 =	simm.s32 $0x0;
	s26 =	sadd.s32 $0x10, s11;
	[dreg:$0x9] =	wrdreg s2  }
0x14: {  	s28 =	sadd.s32 $0x20, s11;
	s11 =	sadd.s32 s1, s5;
	[dreg:$0x7] =	wrdreg s26  }
0x15: {  	s15 =	sor.u32 s7, s31;
	s1 =	sadd.s32 s16, s13;
	[dreg:$0x8] =	wrdreg s28  }
0x16: {  	s2 =	sadd.s32 s31, s21;
	s21 =	simm.s32 $0x80;
	[dreg:$0xb] =	wrdreg s11  }
0x17: {  	s11 =	sshll.u32 s14, $0x6;
	s0 =	sshrl.u32 s15, $0x3;
	[dreg:$0xc] =	wrdreg s1  }
0x18: {  	s16 =	sor.u32 s24, s2;
	s24 =	sadd.s32 $0x6, s25;
	s17 =	sadd.s32 s4, s0  }
0x19: {  	s0 =	sshll.u32 s18, $0x7;
	s25 =	sshll.u32 s24, $0xF;
	s2 =	sshll.u32 s24, $0x7  }
0x1a: {  	s24 =	simm.s32 $0x6C00;
	s19 =	sadd.s32 $0x10, s17;
	[dreg:$0xd] =	wrdreg s17  }
0x1b: {  	s1 =	sadd.s32 $0x20, s17;
	s0 =	sand.u32 $0x200, s0;
	s5 =	sand.u32 $0x3C0000, s25  }
0x1c: {  	s26 =	sand.u32 $0x300, s2;
	[dreg:$0xf] =	wrdreg s1;
	s1 =	sand.u32 $0x3C0000, s20  }
0x1d: {  	s25 =	simm.s32 $0x18D00;
	s2 =	simm.s32 $0x1AD00;
	s1 =	sadd.s32 s31, s1  }
0x1e: {  	s28 =	sadd.s32 s31, s5;
	s17 =	sor.u32 s0, s1;
	s0 =	sshll.u32 s22, $0xF  }
0x1f: {  	[dreg:$0xe] =	wrdreg s19;
	s19 =	sor.u32 s26, s28;
	s0 =	sand.u32 $0x3C0000, s0  }
0x20: {  	s1 =	sand.u32 $0x280, s23;
	s22 =	simm.s32 $0x400;
	s0 =	sadd.s32 s31, s0  }
0x21: {  	v0 =	vlaneseq.u32;
	s23 =	simm.s32 $0xFD00;
	s31 =	smax.u32 s9, $0x1;
	s18 =	sor.u32 s1, s0  }
0x22: {  	v1 =	vor.u32 $0x10, v0;
	[dreg:$0x10] =	wrdreg s31;
	s1 =	simm.s32 $0x17D00;
	s0 =	simm.s32 $0x19D00  }
.LBB2_1:
0x23: {  	[dreg:$0x11] =	wrdreg s6  }
0x24: {  	s5 =	rddreg [dreg:$0x6]  }
0x25: {  	[tilespmem:s23], [sflag:$0x1] =	stream.strided.gather [hbm4b:s5+s21], $0x2000, s22, s21, $0x38;
	[tilespmem:$0x1BD00] =	vst v63  }
0x26: {  	s10 =	rddreg [dreg:$0x7];
	s12 =	simm.s32 $0x11D00  }
0x27: {  	[tilespmem:s12], [sflag:$0x1] =	stream.strided.gather [hbm4b:s10+s21], $0x2000, s22, s21, $0x38;
	[tilespmem:$0x1BD00] =	vst v63  }
0x28: {  	s13 =	rddreg [dreg:$0x8];
	s14 =	simm.s32 $0x13D00  }
0x29: {  	[tilespmem:s14], [sflag:$0x1] =	stream.strided.gather [hbm4b:s13+s21], $0x2000, s22, s21, $0x38;
	[tilespmem:$0x1BD00] =	vst v63  }
0x2a: {  	s15 =	rddreg [dreg:$0x9];
	s20 =	simm.s32 $0x15D00  }
0x2b: {  	[tilespmem:s20], [sflag:$0x1] =	stream.strided.gather [hbm4b:s15+s21], $0x2000, s22, s21, $0x38;
	[tilespmem:$0x1BD00] =	vst v63  }
0x2c: {  	s26 =	rddreg [dreg:$0xa];
	s28 =	simm.s32 $0x100  }
0x2d: {  	[tilespmem:s3], [sflag:$0x2] =	stream.strided.gather [hbm4b:s26+s21], $0x6000, s28, s21, $0x38;
	[tilespmem:$0x1BD00] =	vst v63  }
0x2e: {  	_ =	swait.ge [sflag:s29], $0x6000  }
0x2f: {  	[sflag:s29] =	ssyncset.done $0x0  }
0x30: {  	s31 =	rddreg [dreg:$0xb];
	[sflag:s29] =	ssyncadd.s32 $0xFFFFA000  }
0x31: {  	[tilespmem:s30], [sflag:$0x2] =	stream.strided.gather [hbm4b:s31+s21], $0xC00, s28, s21, $0x38;
	[tilespmem:$0x1BD00] =	vst v63  }
0x32: {  	_ =	swait.ge [sflag:s29], $0xC00  }
0x33: {  	[sflag:s29] =	ssyncset.done $0x0  }
0x34: {  	s6 =	simm.s32 $0x0;
	[sflag:s29] =	ssyncadd.s32 $0xFFFFF400  }
.LBB2_2:
0x35: {  	s5 =	sadd.s32 s11, s6  }
0x36: {  	v2 =	vmov s5  }
0x37: {  	v3 =	vor.u32 $0x400, v2  }
0x38: {  	v4 =	vor.u32 $0x800, v2;
	_ =	sdelay $0x2  }
0x39: {  	v2 =	vld.idx.msk [tilespmem:v2+s30+$0x0], $0xffff  }
0x3a: {  	s9 =	simm.s32 $0x0;
	v3 =	vld.idx.msk [tilespmem:v3+s30+$0x0], $0xffff  }
0x3b: {  	s7 =	simm.s32 $0x0;
	s8 =	simm.s32 $0x0;
	s10 =	simm.s32 $0x0;
	v4 =	vld.idx.msk [tilespmem:v4+s30+$0x0], $0xffff  }
.LBB2_3:
0x3c: {  	v5 =	vld [tilespmem:s7+$0x0]  }
0x3d: {  	v6 =	vld [tilespmem:s7+$0x2000]  }
0x3e: {  	v7 =	vld [tilespmem:s7+$0x4000]  }
0x3f: {  	v8 =	vld [tilespmem:s7+$0x10]  }
0x40: {  	v9 =	vld [tilespmem:s7+$0x2010]  }
0x41: {  	v10 =	vld [tilespmem:s7+$0x20]  }
0x42: {  	v11 =	vld [tilespmem:s7+$0x2020]  }
0x43: {  	v12 =	vld [tilespmem:s7+$0x4010]  }
0x44: {  	v13 =	vld [tilespmem:s7+$0x4020]  }
0x45: {  	v14 =	vld [tilespmem:s7+$0x2030]  }
0x46: {  	v15 =	vld [tilespmem:s7+$0x4030]  }
0x47: {  	v16 =	vld [tilespmem:s7+$0x40]  }
0x48: {  	v17 =	vld [tilespmem:s7+$0x2040];
	v5 =	vsub.f32 v5, v2;
	v6 =	vsub.f32 v6, v3  }
0x49: {  	v39 =	vld [tilespmem:s7+$0x50];
	v7 =	vsub.f32 v7, v4;
	v8 =	vsub.f32 v8, v2  }
0x4a: {  	v18 =	vld [tilespmem:s7+$0x2060];
	v9 =	vsub.f32 v9, v3;
	v10 =	vsub.f32 v10, v2  }
0x4b: {  	v52 =	vld [tilespmem:s7+$0x2070];
	v11 =	vsub.f32 v11, v3;
	v12 =	vsub.f32 v12, v4  }
0x4c: {  	v54 =	vld [tilespmem:s7+$0x4070];
	v13 =	vsub.f32 v13, v4;
	v5 =	vmul.f32 v5, v5;
	v6 =	vmul.f32 v6, v6  }
0x4d: {  	v41 =	vld [tilespmem:s7+$0x2050];
	v45 =	vsub.f32 v14, v3;
	v46 =	vsub.f32 v15, v4  }
0x4e: {  	v47 =	vsub.f32 v16, v2;
	v5 =	vadd.f32 v6, v5;
	v6 =	vld [tilespmem:s7+$0x30]  }
0x4f: {  	v48 =	vsub.f32 v17, v3;
	v55 =	vsub.f32 v18, v3;
	v8 =	vmul.f32 v8, v8  }
0x50: {  	v56 =	vsub.f32 v52, v3;
	v9 =	vmul.f32 v9, v9;
	v10 =	vmul.f32 v10, v10  }
0x51: {  	v59 =	vsub.f32 v54, v4;
	v11 =	vmul.f32 v11, v11;
	v38 =	vmul.f32 v12, v12  }
0x52: {  	v42 =	vld [tilespmem:s7+$0x4040];
	v40 =	vmul.f32 v13, v13;
	v12 =	vsub.f32 v39, v2;
	v13 =	vsub.f32 v41, v3  }
0x53: {  	v44 =	vld [tilespmem:s7+$0x4050];
	v15 =	vmul.f32 v47, v47;
	v16 =	vmul.f32 v48, v48;
	v6 =	vsub.f32 v6, v2  }
0x54: {  	v7 =	vmul.f32 v7, v7;
	v8 =	vadd.f32 v9, v8;
	v10 =	vadd.f32 v11, v10  }
0x55: {  	v11 =	vmul.f32 v45, v45;
	v51 =	vadd.f32 v16, v15;
	v6 =	vmul.f32 v6, v6  }
0x56: {  	v50 =	vmul.f32 v46, v46;
	v5 =	vadd.f32 v7, v5;
	v7 =	vadd.f32 v38, v8  }
0x57: {  	v49 =	vld [tilespmem:s7+$0x60];
	v12 =	vmul.f32 v12, v12;
	v8 =	vsub.f32 v42, v4;
	v6 =	vadd.f32 v11, v6  }
0x58: {  	v19 =	vld [tilespmem:s7+$0x70];
	v13 =	vmul.f32 v13, v13;
	v43 =	vadd.f32 v40, v10;
	v10 =	vsub.f32 v44, v4  }
0x59: {  	v8 =	vmul.f32 v8, v8;
	vm5 =	vle.f32 v5, $3.999999910e-02;
	v5 =	vadd.f32 v50, v6;
	v6 =	vld [tilespmem:s7+$0x4060]  }
0x5a: {  	v57 =	vmul.f32 v55, v55;
	v58 =	vmul.f32 v56, v56;
	v12 =	vadd.f32 v13, v12  }
0x5b: {  	v10 =	vmul.f32 v10, v10;
	vm4 =	vle.f32 v7, $3.999999910e-02;
	v7 =	vadd.f32 v8, v51  }
0x5c: {  	vm3 =	vle.f32 v43, $3.999999910e-02;
	vm2 =	vle.f32 v5, $3.999999910e-02;
	v5 =	vsub.f32 v49, v2  }
0x5d: {  	v60 =	vmpcnt.ones.xlane vm5;
	vm1 =	vle.f32 v7, $3.999999910e-02;
	v7 =	vsub.f32 v19, v2  }
0x5e: {  	v61 =	vmpcnt.ones.xlane vm4;
	v5 =	vmul.f32 v5, v5;
	v6 =	vsub.f32 v6, v4  }
0x5f: {  	v62 =	vmpcnt.ones.xlane vm3;
	v53 =	vadd.f32 v10, v12;
	v7 =	vmul.f32 v7, v7  }
0x60: {  	v8 =	vmul.f32 v59, v59;
	v5 =	vadd.f32 v57, v5;
	v6 =	vmul.f32 v6, v6  }
0x61: {  	(v2sf) =	vpush v60, $0x0;
	vm0 =	vle.f32 v53, $3.999999910e-02;
	v7 =	vadd.f32 v58, v7  }
0x62: {  	(v2sf) =	vpush v61, $0x0;
	v5 =	vadd.f32 v6, v5;
	v6 =	vmpcnt.ones.xlane vm2  }
0x63: {  	(v2sf) =	vpush v62, $0x0;
	v63 =	vmpcnt.ones.xlane vm1;
	v7 =	vadd.f32 v8, v7  }
0x64: {  	vm7 =	vle.f32 v5, $3.999999910e-02;
	(v2sf) =	vpush v6, $0x0;
	v5 =	vmpcnt.ones.xlane vm0  }
0x65: {  	vm6 =	vle.f32 v7, $3.999999910e-02;
	(v2sf) =	vpush v63, $0x0;
	v6 =	vmpcnt.ones.xlane vm7  }
0x66: {  	(v2sf) =	vpush v5, $0x0;
	v5 =	vmpcnt.ones.xlane vm6  }
0x67: {  	(v2sf) =	vpush v6, $0x0  }
0x68: {  	(v2sf) =	vpush v5, $0x0;
	_ =	sdelay $0x7  }
0x69: {  	s5 =	spop (v2sf)  }
0x6a: {  	s12 =	spop (v2sf);
	s5 =	sadd.s32 s10, s5  }
0x6b: {  	s14 =	spop (v2sf);
	s12 =	sadd.s32 s12, s5  }
0x6c: {  	s20 =	sadd.s32 $0x10, s8;
	s14 =	sadd.s32 s14, s12;
	v5 =	vor.u32 s8, v0;
	s15 =	spop (v2sf)  }
0x6d: {  	s13 =	sadd.s32 $0x20, s8;
	[tilespmem:s10+$0x6C00] =	vst.msk vm5, v5;
	v5 =	vor.u32 s20, v0;
	s28 =	spop (v2sf);
	s10 =	sadd.s32 s15, s14  }
0x6e: {  	s26 =	sadd.s32 $0x30, s8;
	[tilespmem:s5+$0x6C00] =	vst.msk vm4, v5;
	v5 =	vor.u32 s13, v0;
	s15 =	spop (v2sf);
	s5 =	sadd.s32 s28, s10  }
0x6f: {  	s31 =	sadd.s32 $0x40, s8;
	[tilespmem:s12+$0x6C00] =	vst.msk vm3, v5;
	v5 =	vor.u32 s26, v0;
	s13 =	spop (v2sf);
	s12 =	sadd.s32 s15, s5  }
0x70: {  	[tilespmem:s14+$0x6C00] =	vst.msk vm2, v5;
	v5 =	vor.u32 s31, v0;
	s26 =	spop (v2sf);
	s13 =	sadd.s32 s13, s12  }
0x71: {  	p0 =	sgt.u32 s9, $0x3E;
	[tilespmem:s10+$0x6C00] =	vst.msk vm1, v5;
	s10 =	sadd.s32 s26, s13  }
0x72: {  	p1 =	slt.s32 @!p0 s10, $0x20  }
0x73: {  	p0 =	por p0, !p1  }
.Ltmp0:
0x74: {  	s20 =	sadd.s32 $0x50, s8;
	(pc) =	sbr.rel @!p0 .LBB2_3-.Ltmp0, $4  }
0x75: {  	s28 =	sadd.s32 $0x60, s8;
	v5 =	vor.u32 s20, v0  }
0x76: {  	s31 =	sadd.s32 $0x70, s8;
	[tilespmem:s5+$0x6C00] =	vst.msk vm0, v5;
	v5 =	vor.u32 s28, v0  }
0x77: {  	[tilespmem:s12+$0x6C00] =	vst.msk vm7, v5;
	v5 =	vor.u32 s31, v0  }
0x78: {  	s9 =	sadd.s32 $0x1, s9;
	s7 =	sadd.s32 $0x80, s7;
	s8 =	sadd.s32 $0x80, s8;
	[tilespmem:s13+$0x6C00] =	vst.msk vm6, v5  }
0x79: {  	v2 =	vld.msk [tilespmem:s24+$0x0], $0xffff  }
0x7a: {  	v3 =	vld [tilespmem:$0x6C00];
	_ =	sdelay $0x1  }
0x7b: {  	v4 =	vmov s10  }
0x7c: {  	vm0 =	veq.s32 v4, $0x0  }
0x7d: {  	s5 =	sshll.u32 s6, $0x5;
	vm14 =	vgt.s32 v4, v0;
	v2 =	vsel vm0, $0x1FFF, v2  }
0x7e: {  	s5 =	sand.u32 $0x3FFFFFE0, s5;
	v3 =	vsel vm14, v3, v2  }
0x7f: {  	[tilespmem:s5+$0x6D00] =	vst v3  }
0x80: {  	s6 =	sadd.s32 $0x1, s6;
	v3 =	vld [tilespmem:$0x6C10]  }
0x81: {  	p0 =	sne.s32 s6, $0x40  }
.Ltmp1:
0x82: {  	_ = 	snop;
	(pc) =	sbr.rel @p0 .LBB2_2-.Ltmp1, $4  }
0x83: {  	_ = 	snop  }
0x84: {  	vm15 =	vgt.s32 v4, v1  }
0x85: {  	v2 =	vsel vm15, v3, v2  }
0x86: {  	[tilespmem:s5+$0x6D10] =	vst v2  }
0x87: {  	s5 =	rddreg [dreg:$0xc];
	s6 =	simm.s32 $0x6D00  }
0x88: {  	[spmem:s5] =	stream.linear.scatter [tilespmem:s6], [sflag:$0x2], $0x800, $0x38;
	[tilespmem:$0x1BD00] =	vst v63  }
0x89: {  	_ =	swait.ge [sflag:s29], $0x800  }
0x8a: {  	[sflag:s29] =	ssyncset.done $0x0  }
0x8b: {  	[sflag:s29] =	ssyncadd.s32 $0xFFFFF800  }
0x8c: {  	[bflag:$0x0] =	sbarrier.arrive $0xFFFF  }
0x8d: {  	s12 =	simm.s32 $0x7D00;
	s10 =	rddreg [dreg:$0x4]  }
0x8e: {  	[tilespmem:s12], [sflag:$0x2] =	stream.linear.gather [spmem:s10], $0x8000, $0x38;
	[tilespmem:$0x1BD00] =	vst v63  }
0x8f: {  	s13 =	sadd.s32 $0xFFFFFFFC, s11;
	_ =	swait.ge [sflag:s29], $0x8000  }
0x90: {  	s14 =	sadd.s32 $0x4, s13;
	s7 =	sadd.s32 $0x7, s13;
	[sflag:s29] =	ssyncset.done $0x0  }
0x91: {  	s8 =	simm.s32 $0x6D40;
	v4 =	vmov s14;
	v5 =	vmov s7;
	[sflag:s29] =	ssyncadd.s32 $0xFFFF8000  }
0x92: {  	v2 =	vor.u32 $0x800, v4;
	v9 =	vld [tilespmem:s8+$0x0]  }
0x93: {  	v3 =	vor.u32 $0x800, v5;
	v11 =	vld [tilespmem:s8+$0x20]  }
0x94: {  	s15 =	sadd.s32 $0x5, s13;
	v18 =	vld [tilespmem:s8+$0xFFFFFFE0]  }
0x95: {  	s5 =	sadd.s32 $0x6, s13;
	v8 =	vmov s15;
	v19 =	vld [tilespmem:s8+$0xFFFFFFC0]  }
0x96: {  	v7 =	vmov s5;
	v13 =	vld.idx.msk [tilespmem:v5+s30+$0x0], $0xffff  }
0x97: {  	v6 =	vor.u32 $0x400, v8;
	v2 =	vld.idx.msk [tilespmem:v2+s30+$0x0], $0xffff  }
0x98: {  	s20 =	sadd.s32 $0x0, s11;
	v17 =	vor.u32 $0x400, v7;
	v3 =	vld.idx.msk [tilespmem:v3+s30+$0x0], $0xffff  }
0x99: {  	s24 =	sadd.s32 $0x5, s20;
	v12 =	vld.idx.msk [tilespmem:v4+s30+$0x0], $0xffff  }
0x9a: {  	v31 =	vmov s24;
	v15 =	vld.idx.msk [tilespmem:v8+s30+$0x0], $0xffff  }
0x9b: {  	v14 =	vld.idx.msk [tilespmem:v7+s30+$0x0], $0xffff  }
0x9c: {  	v6 =	vld.idx.msk [tilespmem:v6+s30+$0x0], $0xffff  }
0x9d: {  	s7 =	simm.s32 $0x6DC0;
	v23 =	vor.u32 $0x800, v8;
	v5 =	vor.u32 $0x400, v5;
	v8 =	vld.idx.msk [tilespmem:v17+s30+$0x0], $0xffff  }
0x9e: {  	v16 =	vor.u32 $0x800, v7;
	v32 =	vld [tilespmem:s7+$0x0]  }
0x9f: {  	v25 =	vld.idx.msk [tilespmem:v31+s30+$0x0], $0xffff  }
0xa0: {  	v10 =	vld.idx.msk [tilespmem:v9+s3+$0x0], $0xffff  }
0xa1: {  	v21 =	vld.idx.msk [tilespmem:v19+s3+$0x0], $0xffff  }
0xa2: {  	v7 =	vld.idx.msk [tilespmem:v5+s30+$0x0], $0xffff;
	v5 =	vor.u32 $0x400, v4  }
0xa3: {  	v4 =	vld.idx.msk [tilespmem:v16+s30+$0x0], $0xffff  }
0xa4: {  	v22 =	vadd.s32 $0x2000, v9;
	v20 =	vld.idx.msk [tilespmem:v11+s3+$0x0], $0xffff  }
0xa5: {  	v16 =	vadd.s32 $0x2000, v19;
	v24 =	vld.idx.msk [tilespmem:v18+s3+$0x0], $0xffff;
	v10 =	vsub.f32 v10, v14  }
0xa6: {  	s6 =	simm.s32 $0x18540;
	v35 =	vld.idx.msk [tilespmem:v32+s3+$0x0], $0xffff;
	v21 =	vsub.f32 v21, v12  }
0xa7: {  	v17 =	vadd.s32 $0x2000, v11;
	[tilespmem:s6+$0xFFFFF800] =	vst v10;
	v10 =	vld.idx.msk [tilespmem:v5+s30+$0x0], $0xffff  }
0xa8: {  	[tilespmem:s6+$0xFFFFF7C0] =	vst v21;
	v21 =	vld [tilespmem:s7+$0x20]  }
0xa9: {  	v20 =	vsub.f32 v20, v13;
	v22 =	vld.idx.msk [tilespmem:v22+s3+$0x0], $0xffff  }
0xaa: {  	s10 =	sadd.s32 $0x7, s20;
	v26 =	vld.idx.msk [tilespmem:v16+s3+$0x0], $0xffff;
	v16 =	vadd.s32 $0x2000, v18  }
0xab: {  	v27 =	vmov s10;
	v5 =	vld.idx.msk [tilespmem:v23+s30+$0x0], $0xffff;
	[tilespmem:s6+$0xFFFFF820] =	vst v20;
	v23 =	vsub.f32 v24, v15  }
0xac: {  	s9 =	sadd.s32 $0x4, s20;
	v17 =	vld.idx.msk [tilespmem:v17+s3+$0x0], $0xffff  }
0xad: {  	v28 =	vmov s9;
	v9 =	vadd.s32 $0x4000, v9;
	[tilespmem:s6+$0xFFFFF7E0] =	vst v23;
	v23 =	vld [tilespmem:s7+$0xFFFFFFC0]  }
0xae: {  	v24 =	vor.u32 $0x800, v28;
	v20 =	vsub.f32 v22, v8;
	v22 =	vld [tilespmem:s7+$0xFFFFFFE0]  }
0xaf: {  	v29 =	vld.idx.msk [tilespmem:v16+s3+$0x0], $0xffff  }
0xb0: {  	v19 =	vadd.s32 $0x4000, v19;
	v16 =	vld.idx.msk [tilespmem:v27+s30+$0x0], $0xffff  }
0xb1: {  	[tilespmem:s6+$0x0] =	vst v20;
	v37 =	vld.idx.msk [tilespmem:v21+s3+$0x0], $0xffff  }
0xb2: {  	v33 =	vadd.s32 $0x4000, v11;
	v26 =	vsub.f32 v26, v10;
	v30 =	vld.idx.msk [tilespmem:v9+s3+$0x0], $0xffff  }
0xb3: {  	s5 =	sadd.s32 $0x6, s20;
	v20 =	vor.u32 $0x800, v27;
	v9 =	vld.idx.msk [tilespmem:v24+s30+$0x0], $0xffff  }
0xb4: {  	v34 =	vmov s5;
	[tilespmem:s6+$0xFFFFFFC0] =	vst v26;
	v24 =	vsub.f32 v17, v7;
	v17 =	vld.idx.msk [tilespmem:v28+s30+$0x0], $0xffff  }
0xb5: {  	v18 =	vadd.s32 $0x4000, v18;
	v26 =	vld.idx.msk [tilespmem:v19+s3+$0x0], $0xffff  }
0xb6: {  	v36 =	vld.idx.msk [tilespmem:v23+s3+$0x0], $0xffff;
	[tilespmem:s6+$0x20] =	vst v24  }
0xb7: {  	v24 =	vsub.f32 v29, v6;
	v33 =	vld.idx.msk [tilespmem:v33+s3+$0x0], $0xffff  }
0xb8: {  	v11 =	vld.idx.msk [tilespmem:v20+s30+$0x0], $0xffff;
	v20 =	vor.u32 $0x400, v31  }
0xb9: {  	v29 =	vld.idx.msk [tilespmem:v34+s30+$0x0], $0xffff;
	[tilespmem:s6+$0xFFFFFFE0] =	vst v24;
	v24 =	vor.u32 $0x400, v27;
	v30 =	vsub.f32 v30, v4  }
0xba: {  	s26 =	simm.s32 $0x40;
	v31 =	vor.u32 $0x800, v31;
	v18 =	vld.idx.msk [tilespmem:v18+s3+$0x0], $0xffff  }
0xbb: {  	s28 =	sor.u32 $0x50, s26;
	v40 =	vld.idx.msk [tilespmem:v22+s3+$0x0], $0xffff;
	[tilespmem:s6+$0x800] =	vst v30  }
0xbc: {  	v42 =	vadd.s32 $0x2000, v21;
	v26 =	vsub.f32 v26, v2;
	v30 =	vor.u32 $0x400, v28;
	v28 =	vld [tilespmem:s28+$0x6D00]  }
0xbd: {  	v19 =	vsub.f32 v33, v3;
	v20 =	vld.idx.msk [tilespmem:v20+s30+$0x0], $0xffff  }
0xbe: {  	v37 =	vsub.f32 v37, v16;
	[tilespmem:s6+$0x7C0] =	vst v26;
	v24 =	vld.idx.msk [tilespmem:v24+s30+$0x0], $0xffff  }
0xbf: {  	v63 =	vor.u32 $0x800, v34;
	s10 =	simm.s32 $0x185C0;
	[tilespmem:s6+$0x820] =	vst v19;
	v19 =	vld.idx.msk [tilespmem:v31+s30+$0x0], $0xffff  }
0xc0: {  	s9 =	simm.s32 $0x60;
	[tilespmem:s10+$0xFFFFF820] =	vst v37;
	v18 =	vsub.f32 v18, v5;
	v31 =	vld [tilespmem:s8+$0xFFFFFFD0]  }
0xc1: {  	s31 =	simm.s32 $0x20;
	s12 =	sor.u32 $0x70, s9;
	v34 =	vor.u32 $0x400, v34;
	v42 =	vld.idx.msk [tilespmem:v42+s3+$0x0], $0xffff  }
0xc2: {  	s20 =	sor.u32 $0x30, s31;
	v38 =	vadd.s32 $0x2000, v32;
	v27 =	vld [tilespmem:s12+$0x6D00];
	[tilespmem:s6+$0x7E0] =	vst v18  }
0xc3: {  	v39 =	vadd.s32 $0x2000, v23;
	v33 =	vld [tilespmem:s20+$0x6D00]  }
0xc4: {  	v35 =	vsub.f32 v35, v29;
	v18 =	vld.idx.msk [tilespmem:v63+s30+$0x0], $0xffff  }
0xc5: {  	v41 =	vsub.f32 v36, v17;
	v26 =	vld.idx.msk [tilespmem:v30+s30+$0x0], $0xffff  }
0xc6: {  	v30 =	vld.idx.msk [tilespmem:v34+s30+$0x0], $0xffff;
	[tilespmem:s10+$0xFFFFF800] =	vst v35  }
0xc7: {  	[tilespmem:s10+$0xFFFFF7C0] =	vst v41;
	v34 =	vld.idx.msk [tilespmem:v38+s3+$0x0], $0xffff  }
0xc8: {  	v39 =	vld.idx.msk [tilespmem:v39+s3+$0x0], $0xffff  }
0xc9: {  	v35 =	vld.idx.msk [tilespmem:v28+s3+$0x0], $0xffff  }
0xca: {  	v36 =	vld.idx.msk [tilespmem:v27+s3+$0x0], $0xffff  }
0xcb: {  	s14 =	simm.s32 $0x4;
	s15 =	simm.s32 $0x6E40;
	v37 =	vadd.s32 $0x2000, v22;
	v40 =	vsub.f32 v40, v25;
	s8 =	simm.s32 $0x185C0;
	v41 =	vadd.s32 $0x4000, v32;
	v38 =	vld.idx.msk [tilespmem:v33+s3+$0x0], $0xffff  }
.LBB2_6:
0xcc: {  	s5 =	sadd.s32 s14, s11;
	v32 =	vld [tilespmem:s15+$0x0];
	s14 =	sadd.s32 $0x4, s14;
	s9 =	sadd.s32 $0x80, s9  }
0xcd: {  	v43 =	vsub.f32 v34, v30;
	v45 =	vadd.s32 $0x2000, v33;
	v46 =	vadd.s32 $0x2000, v27;
	s13 =	sadd.s32 $0x4, s5;
	s26 =	sadd.s32 $0x5, s5;
	s24 =	sadd.s32 $0x7, s5;
	v44 =	vld.idx.msk [tilespmem:v31+s3+$0x0], $0xffff  }
0xce: {  	s5 =	sadd.s32 $0x6, s5;
	p0 =	slt.u32 s14, $0x3C;
	v49 =	vsub.f32 v35, v14;
	v14 =	vmovc v29;
	v34 =	vmov s13;
	v47 =	vmov s24;
	v48 =	vld [tilespmem:s15+$0x20]  }
0xcf: {  	v50 =	vmov s26;
	v29 =	vor.u32 $0x800, v34;
	v51 =	vld [tilespmem:s15+$0xFFFFFFE0];
	v52 =	vor.u32 $0x800, v47;
	[tilespmem:s10+$0x0] =	vst v43  }
0xd0: {  	v35 =	vor.u32 $0x800, v50;
	v43 =	vor.u32 $0x400, v47;
	v38 =	vsub.f32 v38, v15;
	v15 =	vmovc v25;
	[tilespmem:s10+$0xFFFFF7E0] =	vst v40;
	v40 =	vld.idx.msk [tilespmem:v41+s3+$0x0], $0xffff  }
0xd1: {  	v39 =	vsub.f32 v39, v26;
	v25 =	vsub.f32 v42, v24;
	v42 =	vadd.s32 $0x2000, v28;
	v41 =	vld [tilespmem:s15+$0xFFFFFFC0];
	[tilespmem:s28+$0x17D00] =	vst v49  }
0xd2: {  	v53 =	vadd.s32 $0x2000, v31;
	v36 =	vsub.f32 v36, v13;
	v13 =	vmovc v16;
	v49 =	vmov s5;
	v37 =	vld.idx.msk [tilespmem:v37+s3+$0x0], $0xffff;
	[tilespmem:s20+$0x17D00] =	vst v38  }
0xd3: {  	v38 =	vor.u32 $0x800, v49;
	v16 =	vld.idx.msk [tilespmem:v47+s30+$0x0], $0xffff;
	[tilespmem:s10+$0x20] =	vst v25;
	v25 =	vsub.f32 v44, v12;
	v12 =	vmov v17  }
0xd4: {  	v44 =	vld.idx.msk [tilespmem:v45+s3+$0x0], $0xffff;
	[tilespmem:s12+$0x17D00] =	vst v36  }
0xd5: {  	[tilespmem:s6+$0xFFFFF7D0] =	vst v25;
	v36 =	vld.idx.msk [tilespmem:v46+s3+$0x0], $0xffff  }
0xd6: {  	v17 =	vsub.f32 v40, v18;
	v40 =	vld.idx.msk [tilespmem:v42+s3+$0x0], $0xffff  }
0xd7: {  	v42 =	vadd.s32 $0x4000, v21;
	v21 =	vmov v48;
	v45 =	vld.idx.msk [tilespmem:v53+s3+$0x0], $0xffff  }
0xd8: {  	v25 =	vsub.f32 v37, v20;
	v46 =	vld.idx.msk [tilespmem:v29+s30+$0x0], $0xffff;
	[tilespmem:s10+$0x800] =	vst v17  }
0xd9: {  	v29 =	vadd.s32 $0x4000, v33;
	v37 =	vld.idx.msk [tilespmem:v52+s30+$0x0], $0xffff  }
0xda: {  	v27 =	vadd.s32 $0x4000, v27;
	v33 =	vsub.f32 v44, v6;
	v6 =	vmov v20;
	v17 =	vld.idx.msk [tilespmem:v34+s30+$0x0], $0xffff;
	[tilespmem:s10+$0xFFFFFFE0] =	vst v25  }
0xdb: {  	v20 =	vor.u32 $0x400, v50;
	v36 =	vsub.f32 v36, v7;
	v7 =	vmov v24;
	v25 =	vld.idx.msk [tilespmem:v50+s30+$0x0], $0xffff;
	[tilespmem:s10+$0xFFFFFFC0] =	vst v39  }
0xdc: {  	v28 =	vadd.s32 $0x4000, v28;
	v24 =	vld.idx.msk [tilespmem:v42+s3+$0x0], $0xffff;
	[tilespmem:s6+$0xFFFFFFF0] =	vst v33;
	v33 =	vsub.f32 v40, v8;
	v8 =	vmov v30  }
0xdd: {  	v39 =	vadd.s32 $0x4000, v22;
	v22 =	vmovc v51;
	v40 =	vsub.f32 v45, v10;
	v10 =	vmov v26;
	v30 =	vld.idx.msk [tilespmem:v32+s3+$0x0], $0xffff;
	[tilespmem:s6+$0x30] =	vst v36  }
0xde: {  	v26 =	vld.idx.msk [tilespmem:v29+s3+$0x0], $0xffff;
	[tilespmem:s6+$0x10] =	vst v33  }
0xdf: {  	v31 =	vadd.s32 $0x4000, v31;
	[tilespmem:s6+$0xFFFFFFD0] =	vst v40;
	v27 =	vld.idx.msk [tilespmem:v27+s3+$0x0], $0xffff  }
0xe0: {  	v33 =	vadd.s32 $0x4000, v23;
	v23 =	vmov v41;
	v29 =	vld.idx.msk [tilespmem:v49+s30+$0x0], $0xffff  }
0xe1: {  	v28 =	vld.idx.msk [tilespmem:v28+s3+$0x0], $0xffff  }
0xe2: {  	v24 =	vsub.f32 v24, v11;
	v36 =	vld.idx.msk [tilespmem:v39+s3+$0x0], $0xffff  }
0xe3: {  	v20 =	vld.idx.msk [tilespmem:v20+s30+$0x0], $0xffff  }
0xe4: {  	[tilespmem:s10+$0x820] =	vst v24;
	v31 =	vld.idx.msk [tilespmem:v31+s3+$0x0], $0xffff;
	v24 =	vsub.f32 v26, v5;
	v5 =	vmov v19  }
0xe5: {  	v26 =	vsub.f32 v27, v3;
	v3 =	vmov v11;
	v11 =	vmov v37;
	v19 =	vld.idx.msk [tilespmem:v33+s3+$0x0], $0xffff  }
0xe6: {  	v42 =	vadd.s32 $0x2000, v21;
	v33 =	vld.idx.msk [tilespmem:v21+s3+$0x0], $0xffff;
	[tilespmem:s6+$0x7F0] =	vst v24  }
0xe7: {  	v28 =	vsub.f32 v28, v4;
	v4 =	vmov v18;
	v39 =	vld.idx.msk [tilespmem:v41+s3+$0x0], $0xffff;
	[tilespmem:s6+$0x830] =	vst v26  }
0xe8: {  	s12 =	sor.u32 $0x70, s9;
	v41 =	vadd.s32 $0x2000, v32;
	v18 =	vsub.f32 v36, v5;
	v24 =	vld.idx.msk [tilespmem:v43+s30+$0x0], $0xffff  }
0xe9: {  	s5 =	sadd.s32 $0xFFFFFFE0, s9;
	s10 =	sadd.s32 $0x80, s10;
	v27 =	vld [tilespmem:s12+$0x6D00];
	[tilespmem:s6+$0x810] =	vst v28  }
0xea: {  	s28 =	sor.u32 $0x50, s5;
	v37 =	vadd.s32 $0x2000, v22;
	v26 =	vor.u32 $0x400, v34;
	v34 =	vld.idx.msk [tilespmem:v51+s3+$0x0], $0xffff;
	[tilespmem:s8+$0x7E0] =	vst v18;
	v18 =	vsub.f32 v31, v2;
	v2 =	vmovc v9  }
0xeb: {  	v43 =	vadd.s32 $0x2000, v23;
	v9 =	vmov v46;
	v31 =	vsub.f32 v19, v2;
	v28 =	vld [tilespmem:s28+$0x6D00]  }
0xec: {  	s5 =	sadd.s32 $0xFFFFFFC0, s9;
	v36 =	vsub.f32 v30, v29;
	v44 =	vsub.f32 v33, v16;
	v19 =	vld.idx.msk [tilespmem:v35+s30+$0x0], $0xffff;
	v35 =	vor.u32 $0x400, v49;
	[tilespmem:s6+$0x7D0] =	vst v18;
	s6 =	smov.u32 s8;
	s8 =	smov.u32 s10  }
0xed: {  	s20 =	sor.u32 $0x30, s5;
	v39 =	vsub.f32 v39, v17;
	v18 =	vld.idx.msk [tilespmem:v38+s30+$0x0], $0xffff  }
0xee: {  	[tilespmem:s6+$0x7C0] =	vst v31;
	v33 =	vld [tilespmem:s20+$0x6D00]  }
0xef: {  	v26 =	vld.idx.msk [tilespmem:v26+s30+$0x0], $0xffff  }
0xf0: {  	v40 =	vsub.f32 v34, v25;
	v31 =	vld [tilespmem:s7+$0xFFFFFFD0];
	s7 =	smov.u32 s15  }
0xf1: {  	v30 =	vld.idx.msk [tilespmem:v35+s30+$0x0], $0xffff  }
0xf2: {  	[tilespmem:s10+$0xFFFFF800] =	vst v36;
	v36 =	vld.idx.msk [tilespmem:v27+s3+$0x0], $0xffff  }
.Ltmp2:
0xf3: {  	v34 =	vld.idx.msk [tilespmem:v41+s3+$0x0], $0xffff;
	(pc) =	sbr.rel @p0 .LBB2_6-.Ltmp2, $4  }
0xf4: {  	[tilespmem:s10+$0xFFFFF7C0] =	vst v39;
	v35 =	vld.idx.msk [tilespmem:v28+s3+$0x0], $0xffff  }
0xf5: {  	v39 =	vld.idx.msk [tilespmem:v43+s3+$0x0], $0xffff;
	[tilespmem:s10+$0xFFFFF820] =	vst v44  }
0xf6: {  	v38 =	vld.idx.msk [tilespmem:v33+s3+$0x0], $0xffff  }
0xf7: {  	s15 =	sadd.s32 $0x80, s15;
	v41 =	vadd.s32 $0x4000, v32;
	v42 =	vld.idx.msk [tilespmem:v42+s3+$0x0], $0xffff  }
0xf8: {  	_ =	sdelay $0x2  }
0xf9: {  	[tilespmem:s10+$0xFFFFF7E0] =	vst v40  }
0xfa: {  	v32 =	vld.idx.msk [tilespmem:v37+s3+$0x0], $0xffff;
	_ =	sdelay $0x1  }
0xfb: {  	v21 =	vadd.s32 $0x4000, v21  }
0xfc: {  	v22 =	vadd.s32 $0x4000, v22  }
0xfd: {  	v23 =	vadd.s32 $0x4000, v23;
	v47 =	vsub.f32 v42, v24  }
0xfe: {  	v32 =	vsub.f32 v32, v20  }
0xff: {  	v48 =	vsub.f32 v39, v26;
	[tilespmem:s10+$0x20] =	vst v47  }
0x100: {  	v34 =	vsub.f32 v34, v30;
	v21 =	vld.idx.msk [tilespmem:v21+s3+$0x0], $0xffff;
	[tilespmem:s10+$0xFFFFFFE0] =	vst v32  }
0x101: {  	[tilespmem:s10+$0xFFFFFFC0] =	vst v48;
	v22 =	vld.idx.msk [tilespmem:v22+s3+$0x0], $0xffff  }
0x102: {  	[tilespmem:s10+$0x0] =	vst v34;
	v23 =	vld.idx.msk [tilespmem:v23+s3+$0x0], $0xffff  }
0x103: {  	v34 =	vld.idx.msk [tilespmem:v41+s3+$0x0], $0xffff;
	_ =	sdelay $0x1  }
0x104: {  	v21 =	vsub.f32 v21, v11  }
0x105: {  	s5 =	sadd.s32 $0x80, s9;
	v22 =	vsub.f32 v22, v19  }
0x106: {  	s9 =	sadd.s32 $0xFFFFFFC0, s5;
	s13 =	sor.u32 $0x70, s5;
	v50 =	vsub.f32 v23, v9;
	[tilespmem:s10+$0x820] =	vst v21  }
0x107: {  	s9 =	sor.u32 $0x30, s9;
	v49 =	vsub.f32 v34, v18;
	v23 =	vld [tilespmem:s13+$0x6D00];
	[tilespmem:s8+$0x7E0] =	vst v22  }
0x108: {  	s5 =	sadd.s32 $0xFFFFFFE0, s5;
	[tilespmem:s8+$0x7C0] =	vst v50;
	v22 =	vld [tilespmem:s9+$0x6D00]  }
0x109: {  	s5 =	sor.u32 $0x50, s5;
	[tilespmem:s10+$0x800] =	vst v49;
	v21 =	vld [tilespmem:s7+$0xFFFFFFD0]  }
0x10a: {  	v32 =	vld [tilespmem:s5+$0x6D00]  }
0x10b: {  	v51 =	vld.idx.msk [tilespmem:v31+s3+$0x0], $0xffff;
	_ =	sdelay $0x2  }
0x10c: {  	v56 =	vadd.s32 $0x2000, v31  }
0x10d: {  	v53 =	vadd.s32 $0x2000, v27;
	v55 =	vld.idx.msk [tilespmem:v23+s3+$0x0], $0xffff  }
0x10e: {  	v52 =	vadd.s32 $0x2000, v33;
	v12 =	vsub.f32 v51, v12;
	v40 =	vld.idx.msk [tilespmem:v22+s3+$0x0], $0xffff  }
0x10f: {  	v54 =	vadd.s32 $0x2000, v28;
	v13 =	vsub.f32 v36, v13;
	v58 =	vld.idx.msk [tilespmem:v21+s3+$0x0], $0xffff  }
0x110: {  	v15 =	vsub.f32 v38, v15;
	[tilespmem:s6+$0xFFFFF7D0] =	vst v12;
	v57 =	vld.idx.msk [tilespmem:v32+s3+$0x0], $0xffff;
	v61 =	vadd.s32 $0x2000, v23  }
0x111: {  	v14 =	vsub.f32 v35, v14;
	[tilespmem:s12+$0x17D00] =	vst v13;
	v45 =	vld.idx.msk [tilespmem:v56+s3+$0x0], $0xffff;
	v59 =	vadd.s32 $0x2000, v22  }
0x112: {  	[tilespmem:s20+$0x17D00] =	vst v15;
	v62 =	vld.idx.msk [tilespmem:v53+s3+$0x0], $0xffff;
	v44 =	vadd.s32 $0x2000, v21;
	v16 =	vsub.f32 v55, v16  }
0x113: {  	[tilespmem:s28+$0x17D00] =	vst v14;
	v60 =	vld.idx.msk [tilespmem:v52+s3+$0x0], $0xffff;
	v63 =	vadd.s32 $0x2000, v32;
	v25 =	vsub.f32 v40, v25  }
0x114: {  	v43 =	vld.idx.msk [tilespmem:v54+s3+$0x0], $0xffff;
	v50 =	vadd.s32 $0x4000, v31;
	v15 =	vsub.f32 v58, v17;
	[tilespmem:s13+$0x17D00] =	vst v16  }
0x115: {  	v47 =	vadd.s32 $0x4000, v27;
	v29 =	vsub.f32 v57, v29;
	v13 =	vld.idx.msk [tilespmem:v61+s3+$0x0], $0xffff;
	[tilespmem:s9+$0x17D00] =	vst v25  }
0x116: {  	v46 =	vadd.s32 $0x4000, v33;
	v10 =	vsub.f32 v45, v10;
	[tilespmem:s8+$0xFFFFF7D0] =	vst v15;
	v48 =	vld.idx.msk [tilespmem:v59+s3+$0x0], $0xffff  }
0x117: {  	v49 =	vadd.s32 $0x4000, v28;
	v7 =	vsub.f32 v62, v7;
	[tilespmem:s5+$0x17D00] =	vst v29;
	v53 =	vld.idx.msk [tilespmem:v44+s3+$0x0], $0xffff  }
0x118: {  	v6 =	vsub.f32 v60, v6;
	[tilespmem:s6+$0xFFFFFFD0] =	vst v10;
	v56 =	vadd.s32 $0x4000, v23;
	v51 =	vld.idx.msk [tilespmem:v63+s3+$0x0], $0xffff  }
0x119: {  	v52 =	vsub.f32 v43, v8;
	[tilespmem:s6+$0x30] =	vst v7;
	v14 =	vld.idx.msk [tilespmem:v50+s3+$0x0], $0xffff;
	v54 =	vadd.s32 $0x4000, v22  }
0x11a: {  	[tilespmem:s6+$0xFFFFFFF0] =	vst v6;
	v60 =	vadd.s32 $0x4000, v21;
	v57 =	vld.idx.msk [tilespmem:v47+s3+$0x0], $0xffff;
	v13 =	vsub.f32 v13, v24  }
0x11b: {  	[tilespmem:s6+$0x10] =	vst v52;
	v58 =	vadd.s32 $0x4000, v32;
	v55 =	vld.idx.msk [tilespmem:v46+s3+$0x0], $0xffff;
	v17 =	vsub.f32 v48, v20  }
0x11c: {  	v59 =	vld.idx.msk [tilespmem:v49+s3+$0x0], $0xffff;
	v8 =	vsub.f32 v53, v26;
	[tilespmem:s8+$0x30] =	vst v13  }
0x11d: {  	v15 =	vsub.f32 v51, v30;
	v61 =	vld.idx.msk [tilespmem:v56+s3+$0x0], $0xffff;
	[tilespmem:s8+$0xFFFFFFF0] =	vst v17  }
0x11e: {  	v2 =	vsub.f32 v14, v2;
	[tilespmem:s8+$0xFFFFFFD0] =	vst v8;
	v12 =	vld.idx.msk [tilespmem:v54+s3+$0x0], $0xffff  }
0x11f: {  	v3 =	vsub.f32 v57, v3;
	[tilespmem:s8+$0x10] =	vst v15;
	v63 =	vld.idx.msk [tilespmem:v60+s3+$0x0], $0xffff  }
0x120: {  	[tilespmem:s6+$0x7D0] =	vst v2;
	v5 =	vsub.f32 v55, v5;
	v62 =	vld.idx.msk [tilespmem:v58+s3+$0x0], $0xffff  }
0x121: {  	[tilespmem:s6+$0x830] =	vst v3;
	v4 =	vsub.f32 v59, v4  }
0x122: {  	[tilespmem:s6+$0x7F0] =	vst v5;
	v2 =	vsub.f32 v61, v11  }
0x123: {  	[tilespmem:s6+$0x810] =	vst v4;
	v3 =	vsub.f32 v12, v19  }
0x124: {  	[tilespmem:s8+$0x830] =	vst v2;
	v2 =	vsub.f32 v63, v9  }
0x125: {  	[tilespmem:s8+$0x7F0] =	vst v3;
	v3 =	vsub.f32 v62, v18  }
0x126: {  	[tilespmem:s8+$0x7D0] =	vst v2  }
0x127: {  	[tilespmem:s8+$0x810] =	vst v3  }
0x128: {  	s5 =	rddreg [dreg:$0xd]  }
0x129: {  	[hbm4b:s5+s21] =	stream.strided.scatter [tilespmem:s1], [sflag:$0x2], $0x800, s22, s21, $0x38;
	[tilespmem:$0x1BD00] =	vst v63  }
0x12a: {  	_ =	swait.ge [sflag:s29], $0x800  }
0x12b: {  	[sflag:s29] =	ssyncset.done $0x0  }
0x12c: {  	s26 =	simm.s32 $0x18500;
	s24 =	rddreg [dreg:$0xe];
	[sflag:s29] =	ssyncadd.s32 $0xFFFFF800  }
0x12d: {  	[hbm4b:s24+s21] =	stream.strided.scatter [tilespmem:s26], [sflag:$0x2], $0x800, s22, s21, $0x38;
	[tilespmem:$0x1BD00] =	vst v63  }
0x12e: {  	_ =	swait.ge [sflag:s29], $0x800  }
0x12f: {  	[sflag:s29] =	ssyncset.done $0x0  }
0x130: {  	s28 =	rddreg [dreg:$0xf];
	[sflag:s29] =	ssyncadd.s32 $0xFFFFF800  }
0x131: {  	[hbm4b:s28+s21] =	stream.strided.scatter [tilespmem:s25], [sflag:$0x2], $0x800, s22, s21, $0x38;
	[tilespmem:$0x1BD00] =	vst v63  }
0x132: {  	_ =	swait.ge [sflag:s29], $0x800  }
0x133: {  	[sflag:s29] =	ssyncset.done $0x0  }
0x134: {  	s31 =	simm.s32 $0x1;
	[sflag:s29] =	ssyncadd.s32 $0xFFFFF800  }
0x135: {  	_ =	swait.ge [sflag:s31], $0x2000  }
0x136: {  	[sflag:s31] =	ssyncset.done $0x0  }
0x137: {  	[sflag:s31] =	ssyncadd.s32 $0xFFFFE000  }
0x138: {  	_ =	swait.ge [sflag:s31], $0x2000  }
0x139: {  	[sflag:s31] =	ssyncset.done $0x0  }
0x13a: {  	[sflag:s31] =	ssyncadd.s32 $0xFFFFE000  }
0x13b: {  	_ =	swait.ge [sflag:s31], $0x2000  }
0x13c: {  	[sflag:s31] =	ssyncset.done $0x0  }
0x13d: {  	[sflag:s31] =	ssyncadd.s32 $0xFFFFE000  }
0x13e: {  	_ =	swait.ge [sflag:s31], $0x2000  }
0x13f: {  	s7 =	simm.s32 $0x7D40;
	[sflag:s31] =	ssyncset.done $0x0  }
0x140: {  	s6 =	simm.s32 $0x0;
	s8 =	simm.s32 $0x0;
	[sflag:s31] =	ssyncadd.s32 $0xFFFFE000  }
.LBB2_8:
0x141: {  	v2 =	vld [tilespmem:s7+$0x20];
	_ =	sdelay $0x1  }
0x142: {  	v3 =	vld [tilespmem:s7+$0xFFFFFFE0]  }
0x143: {  	v4 =	vld [tilespmem:s7+$0x0];
	_ =	sdelay $0x3  }
0x144: {  	v5 =	vld [tilespmem:s7+$0xFFFFFFC0]  }
0x145: {  	v6 =	vld.idx.msk [tilespmem:v2+s23+$0x0], $0xffff  }
0x146: {  	v7 =	vadd.s32 $0x2000, v2  }
0x147: {  	v8 =	vld.idx.msk [tilespmem:v3+s23+$0x0], $0xffff  }
0x148: {  	v9 =	vadd.s32 $0x2000, v3;
	v10 =	vld.idx.msk [tilespmem:v4+s23+$0x0], $0xffff  }
0x149: {  	s9 =	simm.s32 $0x19D00;
	v11 =	vadd.s32 $0x2000, v4  }
0x14a: {  	[tilespmem:s9+$0xFFFFE060] =	vst v6  }
0x14b: {  	v6 =	vld.idx.msk [tilespmem:v7+s23+$0x0], $0xffff  }
0x14c: {  	[tilespmem:s9+$0xFFFFE020] =	vst v8;
	v8 =	vadd.s32 $0x4000, v2;
	v7 =	vld.idx.msk [tilespmem:v5+s23+$0x0], $0xffff  }
0x14d: {  	v12 =	vadd.s32 $0x2000, v5;
	[tilespmem:s9+$0xFFFFE040] =	vst v10;
	v9 =	vld.idx.msk [tilespmem:v9+s23+$0x0], $0xffff  }
0x14e: {  	v10 =	vadd.s32 $0x4000, v3;
	v11 =	vld.idx.msk [tilespmem:v11+s23+$0x0], $0xffff  }
0x14f: {  	v13 =	vadd.s32 $0x4000, v4  }
0x150: {  	[tilespmem:s9+$0xFFFFF060] =	vst v6  }
0x151: {  	[tilespmem:s9+$0xFFFFE000] =	vst v7;
	v6 =	vld.idx.msk [tilespmem:v8+s23+$0x0], $0xffff  }
0x152: {  	v2 =	vadd.s32 $0x6000, v2;
	[tilespmem:s9+$0xFFFFF020] =	vst v9;
	v7 =	vld.idx.msk [tilespmem:v12+s23+$0x0], $0xffff  }
0x153: {  	[tilespmem:s9+$0xFFFFF040] =	vst v11;
	v8 =	vadd.s32 $0x4000, v5;
	v9 =	vld.idx.msk [tilespmem:v10+s23+$0x0], $0xffff  }
0x154: {  	v3 =	vadd.s32 $0x6000, v3;
	v10 =	vld.idx.msk [tilespmem:v13+s23+$0x0], $0xffff  }
0x155: {  	v4 =	vadd.s32 $0x6000, v4  }
0x156: {  	[tilespmem:s9+$0x60] =	vst v6  }
0x157: {  	[tilespmem:s9+$0xFFFFF000] =	vst v7;
	v2 =	vld.idx.msk [tilespmem:v2+s23+$0x0], $0xffff  }
0x158: {  	[tilespmem:s9+$0x20] =	vst v9;
	v6 =	vld.idx.msk [tilespmem:v8+s23+$0x0], $0xffff  }
0x159: {  	s5 =	sadd.s32 $0x0, s6;
	v5 =	vadd.s32 $0x6000, v5;
	[tilespmem:s9+$0x40] =	vst v10;
	v3 =	vld.idx.msk [tilespmem:v3+s23+$0x0], $0xffff  }
0x15a: {  	s12 =	sadd.s32 $0x20, s5;
	v4 =	vld.idx.msk [tilespmem:v4+s23+$0x0], $0xffff  }
0x15b: {  	s10 =	sadd.s32 $0x60, s5;
	s14 =	sor.u32 $0x30, s12;
	s12 =	sadd.s32 $0x80, s7  }
0x15c: {  	s10 =	sor.u32 $0x70, s10;
	v7 =	vld [tilespmem:s12+$0xFFFFFFE0];
	[tilespmem:s9+$0x1060] =	vst v2  }
0x15d: {  	[tilespmem:s9+$0x0] =	vst v6;
	v2 =	vld [tilespmem:s10+$0x7D00]  }
0x15e: {  	s5 =	sadd.s32 $0x40, s5;
	[tilespmem:s9+$0x1020] =	vst v3;
	v5 =	vld.idx.msk [tilespmem:v5+s23+$0x0], $0xffff  }
0x15f: {  	s5 =	sor.u32 $0x50, s5;
	[tilespmem:s9+$0x1040] =	vst v4;
	v3 =	vld [tilespmem:s14+$0x7D00]  }
0x160: {  	v4 =	vld [tilespmem:s5+$0x7D00]  }
0x161: {  	v6 =	vld [tilespmem:s12+$0x20]  }
0x162: {  	v8 =	vld [tilespmem:s12+$0x0]  }
0x163: {  	v9 =	vld [tilespmem:s12+$0xFFFFFFC0]  }
0x164: {  	v16 =	vld.idx.msk [tilespmem:v7+s23+$0x0], $0xffff;
	[tilespmem:s9+$0x1000] =	vst v5  }
0x165: {  	v10 =	vld [tilespmem:s7+$0xFFFFFFD0]  }
0x166: {  	v5 =	vld.idx.msk [tilespmem:v2+s23+$0x0], $0xffff  }
0x167: {  	v47 =	vadd.s32 $0x2000, v2;
	v11 =	vld.idx.msk [tilespmem:v3+s23+$0x0], $0xffff  }
0x168: {  	v48 =	vld.idx.msk [tilespmem:v4+s23+$0x0], $0xffff  }
0x169: {  	s15 =	simm.s32 $0x60;
	v15 =	vadd.s32 $0x2000, v3;
	v14 =	vld.idx.msk [tilespmem:v6+s23+$0x0], $0xffff  }
0x16a: {  	s20 =	simm.s32 $0x20;
	s5 =	sor.u32 $0x70, s15;
	v17 =	vld.idx.msk [tilespmem:v8+s23+$0x0], $0xffff;
	v18 =	vadd.s32 $0x2000, v6  }
0x16b: {  	s24 =	simm.s32 $0x40;
	v19 =	vadd.s32 $0x2000, v8;
	s10 =	sor.u32 $0x30, s20;
	v20 =	vld.idx.msk [tilespmem:v9+s23+$0x0], $0xffff;
	[tilespmem:s5+$0x17D00] =	vst v5  }
0x16c: {  	v21 =	vadd.s32 $0x2000, v9;
	s5 =	sor.u32 $0x50, s24;
	[tilespmem:s10+$0x17D00] =	vst v11;
	v12 =	vld.idx.msk [tilespmem:v47+s23+$0x0], $0xffff  }
0x16d: {  	v53 =	vadd.s32 $0x2000, v4;
	s10 =	simm.s32 $0x19D80;
	v11 =	vld.idx.msk [tilespmem:v10+s23+$0x0], $0xffff;
	[tilespmem:s5+$0x17D00] =	vst v48  }
0x16e: {  	v5 =	vadd.s32 $0x2000, v7;
	[tilespmem:s10+$0xFFFFE060] =	vst v14;
	v50 =	vld.idx.msk [tilespmem:v15+s23+$0x0], $0xffff  }
0x16f: {  	v49 =	vadd.s32 $0x4000, v2;
	[tilespmem:s10+$0xFFFFE040] =	vst v17;
	v52 =	vld.idx.msk [tilespmem:v18+s23+$0x0], $0xffff  }
0x170: {  	v51 =	vadd.s32 $0x2000, v10;
	[tilespmem:s10+$0xFFFFE000] =	vst v20;
	v17 =	vld.idx.msk [tilespmem:v19+s23+$0x0], $0xffff  }
0x171: {  	v60 =	vadd.s32 $0x4000, v3;
	[tilespmem:s10+$0xFFFFE020] =	vst v16;
	v21 =	vld.idx.msk [tilespmem:v21+s23+$0x0], $0xffff  }
0x172: {  	v56 =	vadd.s32 $0x4000, v8;
	v58 =	vld.idx.msk [tilespmem:v53+s23+$0x0], $0xffff;
	[tilespmem:s9+$0xFFFFF070] =	vst v12  }
0x173: {  	v54 =	vadd.s32 $0x4000, v6;
	v5 =	vld.idx.msk [tilespmem:v5+s23+$0x0], $0xffff;
	[tilespmem:s9+$0xFFFFE010] =	vst v11  }
0x174: {  	v55 =	vadd.s32 $0x4000, v7;
	[tilespmem:s9+$0xFFFFF030] =	vst v50;
	v13 =	vld.idx.msk [tilespmem:v49+s23+$0x0], $0xffff  }
0x175: {  	v57 =	vadd.s32 $0x4000, v9;
	v11 =	vld.idx.msk [tilespmem:v51+s23+$0x0], $0xffff;
	[tilespmem:s10+$0xFFFFF060] =	vst v52  }
0x176: {  	v2 =	vadd.s32 $0x6000, v2;
	[tilespmem:s10+$0xFFFFF040] =	vst v17;
	v63 =	vld.idx.msk [tilespmem:v60+s23+$0x0], $0xffff  }
0x177: {  	v59 =	vadd.s32 $0x4000, v10;
	[tilespmem:s10+$0xFFFFF000] =	vst v21;
	v17 =	vld.idx.msk [tilespmem:v56+s23+$0x0], $0xffff  }
0x178: {  	v8 =	vadd.s32 $0x6000, v8;
	[tilespmem:s10+$0xFFFFF020] =	vst v5;
	v5 =	vld.idx.msk [tilespmem:v54+s23+$0x0], $0xffff  }
0x179: {  	v6 =	vadd.s32 $0x6000, v6;
	[tilespmem:s9+$0xFFFFF050] =	vst v58;
	v12 =	vld.idx.msk [tilespmem:v55+s23+$0x0], $0xffff  }
0x17a: {  	v7 =	vadd.s32 $0x6000, v7;
	v61 =	vld.idx.msk [tilespmem:v57+s23+$0x0], $0xffff;
	[tilespmem:s9+$0x70] =	vst v13  }
0x17b: {  	v9 =	vadd.s32 $0x6000, v9;
	[tilespmem:s9+$0xFFFFF010] =	vst v11;
	v2 =	vld.idx.msk [tilespmem:v2+s23+$0x0], $0xffff  }
0x17c: {  	v11 =	vadd.s32 $0x4000, v4;
	v62 =	vld.idx.msk [tilespmem:v59+s23+$0x0], $0xffff;
	[tilespmem:s10+$0x40] =	vst v17  }
0x17d: {  	v3 =	vadd.s32 $0x6000, v3;
	v8 =	vld.idx.msk [tilespmem:v8+s23+$0x0], $0xffff;
	[tilespmem:s10+$0x60] =	vst v5  }
0x17e: {  	v5 =	vadd.s32 $0x6000, v10;
	[tilespmem:s10+$0x20] =	vst v12;
	v6 =	vld.idx.msk [tilespmem:v6+s23+$0x0], $0xffff  }
0x17f: {  	[tilespmem:s10+$0x0] =	vst v61;
	v7 =	vld.idx.msk [tilespmem:v7+s23+$0x0], $0xffff  }
0x180: {  	[tilespmem:s9+$0x30] =	vst v63;
	v9 =	vld.idx.msk [tilespmem:v9+s23+$0x0], $0xffff  }
0x181: {  	s26 =	sadd.s32 $0x80, s6;
	v10 =	vld.idx.msk [tilespmem:v11+s23+$0x0], $0xffff;
	[tilespmem:s9+$0x1070] =	vst v2  }
0x182: {  	s13 =	sadd.s32 $0x60, s26;
	v11 =	vadd.s32 $0x6000, v4;
	v4 =	vld.idx.msk [tilespmem:v3+s23+$0x0], $0xffff;
	[tilespmem:s9+$0x10] =	vst v62  }
0x183: {  	s13 =	sor.u32 $0x70, s13;
	s14 =	sadd.s32 $0x20, s26;
	v5 =	vld.idx.msk [tilespmem:v5+s23+$0x0], $0xffff;
	[tilespmem:s10+$0x1060] =	vst v6  }
0x184: {  	s14 =	sor.u32 $0x30, s14;
	s5 =	sadd.s32 $0x40, s26;
	[tilespmem:s10+$0x1020] =	vst v7;
	v2 =	vld [tilespmem:s13+$0x7D00]  }
0x185: {  	s31 =	simm.s32 $0xA0;
	s5 =	sor.u32 $0x50, s5;
	[tilespmem:s10+$0x1040] =	vst v8;
	v7 =	vld [tilespmem:s14+$0x7D00]  }
0x186: {  	s28 =	sadd.s32 $0x80, s12;
	s15 =	simm.s32 $0x4;
	s20 =	simm.s32 $0xC0;
	v6 =	vld [tilespmem:s5+$0x7D00];
	[tilespmem:s9+$0x50] =	vst v10  }
0x187: {  	s20 =	sor.u32 $0x50, s20;
	[tilespmem:s10+$0x1000] =	vst v9;
	s5 =	sor.u32 $0x30, s31;
	s14 =	simm.s32 $0x80;
	v8 =	vld.idx.msk [tilespmem:v11+s23+$0x0], $0xffff  }
.LBB2_9:
0x188: {  	v9 =	vld [tilespmem:s28+$0x20];
	s15 =	sadd.s32 $0x4, s15;
	[tilespmem:s9+$0x1010] =	vst v5  }
0x189: {  	v5 =	vld [tilespmem:s28+$0xFFFFFFE0];
	p0 =	slt.u32 s15, $0x7C;
	[tilespmem:s9+$0x1030] =	vst v4  }
0x18a: {  	v4 =	vld [tilespmem:s28+$0x0];
	v10 =	vadd.s32 $0x2000, v7;
	v11 =	vadd.s32 $0x4000, v7;
	v12 =	vadd.s32 $0x6000, v7  }
0x18b: {  	v13 =	vld [tilespmem:s28+$0xFFFFFFC0];
	v14 =	vadd.s32 $0x2000, v6;
	v15 =	vadd.s32 $0x4000, v6;
	v3 =	vadd.s32 $0x6000, v6  }
0x18c: {  	v16 =	vld.idx.msk [tilespmem:v2+s23+$0x0], $0xffff  }
0x18d: {  	v17 =	vld [tilespmem:s12+$0xFFFFFFD0];
	[tilespmem:s9+$0x1050] =	vst v8;
	s9 =	smov.u32 s10;
	s12 =	smov.u32 s28  }
0x18e: {  	v19 =	vadd.s32 $0x2000, v2;
	v8 =	vadd.s32 $0x2000, v5;
	v18 =	vadd.s32 $0x4000, v5;
	v7 =	vld.idx.msk [tilespmem:v7+s23+$0x0], $0xffff  }
0x18f: {  	v20 =	vadd.s32 $0x6000, v5;
	v21 =	vadd.s32 $0x2000, v4;
	v22 =	vadd.s32 $0x4000, v4;
	v6 =	vld.idx.msk [tilespmem:v6+s23+$0x0], $0xffff  }
0x190: {  	s13 =	sadd.s32 $0x60, s14;
	v23 =	vadd.s32 $0x2000, v13;
	v24 =	vadd.s32 $0x4000, v13;
	v25 =	vadd.s32 $0x6000, v13;
	v26 =	vld.idx.msk [tilespmem:v9+s23+$0x0], $0xffff  }
0x191: {  	s13 =	sor.u32 $0x70, s13;
	v27 =	vadd.s32 $0x6000, v4;
	v5 =	vld.idx.msk [tilespmem:v5+s23+$0x0], $0xffff  }
0x192: {  	v28 =	vadd.s32 $0x2000, v9;
	v4 =	vld.idx.msk [tilespmem:v4+s23+$0x0], $0xffff;
	v29 =	vadd.s32 $0x2000, v17;
	v30 =	vadd.s32 $0x4000, v17;
	[tilespmem:s13+$0x17D00] =	vst v16  }
0x193: {  	v16 =	vadd.s32 $0x6000, v17;
	v19 =	vld.idx.msk [tilespmem:v19+s23+$0x0], $0xffff  }
0x194: {  	v13 =	vld.idx.msk [tilespmem:v13+s23+$0x0], $0xffff;
	[tilespmem:s5+$0x17D00] =	vst v7  }
0x195: {  	s10 =	sadd.s32 $0x80, s10;
	v7 =	vld.idx.msk [tilespmem:v17+s23+$0x0], $0xffff;
	[tilespmem:s20+$0x17D00] =	vst v6;
	v6 =	vadd.s32 $0x4000, v2  }
0x196: {  	[tilespmem:s10+$0xFFFFE060] =	vst v26;
	v10 =	vld.idx.msk [tilespmem:v10+s23+$0x0], $0xffff  }
0x197: {  	[tilespmem:s10+$0xFFFFE020] =	vst v5;
	v5 =	vld.idx.msk [tilespmem:v28+s23+$0x0], $0xffff  }
0x198: {  	v8 =	vld.idx.msk [tilespmem:v8+s23+$0x0], $0xffff;
	[tilespmem:s10+$0xFFFFE040] =	vst v4  }
0x199: {  	v17 =	vadd.s32 $0x4000, v9;
	v4 =	vld.idx.msk [tilespmem:v21+s23+$0x0], $0xffff;
	[tilespmem:s9+$0xFFFFF070] =	vst v19  }
0x19a: {  	[tilespmem:s10+$0xFFFFE000] =	vst v13;
	v6 =	vld.idx.msk [tilespmem:v6+s23+$0x0], $0xffff  }
0x19b: {  	v13 =	vld.idx.msk [tilespmem:v23+s23+$0x0], $0xffff;
	[tilespmem:s9+$0xFFFFE010] =	vst v7  }
0x19c: {  	v2 =	vadd.s32 $0x6000, v2;
	v7 =	vld.idx.msk [tilespmem:v29+s23+$0x0], $0xffff;
	[tilespmem:s9+$0xFFFFF030] =	vst v10  }
0x19d: {  	[tilespmem:s10+$0xFFFFF060] =	vst v5;
	v5 =	vld.idx.msk [tilespmem:v14+s23+$0x0], $0xffff  }
0x19e: {  	[tilespmem:s10+$0xFFFFF020] =	vst v8;
	v8 =	vld.idx.msk [tilespmem:v17+s23+$0x0], $0xffff  }
0x19f: {  	v10 =	vld.idx.msk [tilespmem:v18+s23+$0x0], $0xffff;
	[tilespmem:s10+$0xFFFFF040] =	vst v4  }
0x1a0: {  	v9 =	vadd.s32 $0x6000, v9;
	v4 =	vld.idx.msk [tilespmem:v22+s23+$0x0], $0xffff;
	[tilespmem:s9+$0x70] =	vst v6  }
0x1a1: {  	[tilespmem:s10+$0xFFFFF000] =	vst v13;
	v2 =	vld.idx.msk [tilespmem:v2+s23+$0x0], $0xffff  }
0x1a2: {  	v6 =	vld.idx.msk [tilespmem:v24+s23+$0x0], $0xffff;
	[tilespmem:s9+$0xFFFFF010] =	vst v7  }
0x1a3: {  	v7 =	vld.idx.msk [tilespmem:v30+s23+$0x0], $0xffff;
	[tilespmem:s9+$0xFFFFF050] =	vst v5  }
0x1a4: {  	[tilespmem:s10+$0x60] =	vst v8;
	v8 =	vld.idx.msk [tilespmem:v11+s23+$0x0], $0xffff  }
0x1a5: {  	[tilespmem:s10+$0x20] =	vst v10;
	v9 =	vld.idx.msk [tilespmem:v9+s23+$0x0], $0xffff  }
0x1a6: {  	v10 =	vld.idx.msk [tilespmem:v20+s23+$0x0], $0xffff;
	[tilespmem:s10+$0x40] =	vst v4  }
0x1a7: {  	s14 =	sadd.s32 $0x80, s14;
	v11 =	vld.idx.msk [tilespmem:v27+s23+$0x0], $0xffff;
	[tilespmem:s9+$0x1070] =	vst v2  }
0x1a8: {  	s5 =	sadd.s32 s14, s6;
	[tilespmem:s10+$0x0] =	vst v6;
	v13 =	vld.idx.msk [tilespmem:v15+s23+$0x0], $0xffff  }
0x1a9: {  	s13 =	sadd.s32 $0x20, s14;
	s20 =	sadd.s32 $0x40, s14;
	s24 =	sadd.s32 $0x20, s5;
	v14 =	vld.idx.msk [tilespmem:v25+s23+$0x0], $0xffff;
	[tilespmem:s9+$0x10] =	vst v7  }
0x1aa: {  	s26 =	sadd.s32 $0x40, s5;
	s5 =	sadd.s32 $0x60, s5;
	s24 =	sor.u32 $0x30, s24;
	v5 =	vld.idx.msk [tilespmem:v16+s23+$0x0], $0xffff;
	[tilespmem:s9+$0x30] =	vst v8  }
.Ltmp3:
0x1ab: {  	s26 =	sor.u32 $0x50, s26;
	s31 =	sor.u32 $0x70, s5;
	[tilespmem:s10+$0x1060] =	vst v9;
	v4 =	vld.idx.msk [tilespmem:v12+s23+$0x0], $0xffff;
	(pc) =	sbr.rel @p0 .LBB2_9-.Ltmp3, $4  }
0x1ac: {  	s5 =	sor.u32 $0x30, s13;
	s20 =	sor.u32 $0x50, s20;
	[tilespmem:s10+$0x1020] =	vst v10;
	v2 =	vld [tilespmem:s31+$0x7D00]  }
0x1ad: {  	v7 =	vld [tilespmem:s24+$0x7D00];
	[tilespmem:s10+$0x1040] =	vst v11  }
0x1ae: {  	v6 =	vld [tilespmem:s26+$0x7D00];
	[tilespmem:s9+$0x50] =	vst v13  }
0x1af: {  	s28 =	sadd.s32 $0x80, s28;
	[tilespmem:s10+$0x1000] =	vst v14;
	v8 =	vld.idx.msk [tilespmem:v3+s23+$0x0], $0xffff  }
0x1b0: {  	v3 =	vld [tilespmem:s12+$0xFFFFFFD0];
	_ =	sdelay $0x4  }
0x1b1: {  	v9 =	vld.idx.msk [tilespmem:v2+s23+$0x0], $0xffff  }
0x1b2: {  	v10 =	vadd.s32 $0x2000, v2;
	v12 =	vld.idx.msk [tilespmem:v7+s23+$0x0], $0xffff  }
0x1b3: {  	v14 =	vadd.s32 $0x2000, v7;
	v15 =	vld.idx.msk [tilespmem:v6+s23+$0x0], $0xffff  }
0x1b4: {  	s15 =	sadd.s32 $0x60, s14;
	v16 =	vadd.s32 $0x2000, v6;
	v11 =	vld.idx.msk [tilespmem:v3+s23+$0x0], $0xffff  }
0x1b5: {  	s12 =	sor.u32 $0x70, s15;
	v13 =	vadd.s32 $0x2000, v3  }
0x1b6: {  	[tilespmem:s12+$0x17D00] =	vst v9  }
0x1b7: {  	v9 =	vld.idx.msk [tilespmem:v10+s23+$0x0], $0xffff;
	[tilespmem:s5+$0x17D00] =	vst v12  }
0x1b8: {  	v52 =	vadd.s32 $0x4000, v2;
	[tilespmem:s20+$0x17D00] =	vst v15;
	v54 =	vld.idx.msk [tilespmem:v14+s23+$0x0], $0xffff  }
0x1b9: {  	v55 =	vadd.s32 $0x4000, v7;
	v15 =	vld.idx.msk [tilespmem:v16+s23+$0x0], $0xffff;
	[tilespmem:s10+$0xFFFFE010] =	vst v11  }
0x1ba: {  	v56 =	vadd.s32 $0x4000, v6;
	v11 =	vld.idx.msk [tilespmem:v13+s23+$0x0], $0xffff  }
0x1bb: {  	v53 =	vadd.s32 $0x4000, v3  }
0x1bc: {  	[tilespmem:s10+$0xFFFFF070] =	vst v9  }
0x1bd: {  	v9 =	vld.idx.msk [tilespmem:v52+s23+$0x0], $0xffff;
	[tilespmem:s10+$0xFFFFF030] =	vst v54  }
0x1be: {  	v2 =	vadd.s32 $0x6000, v2;
	[tilespmem:s10+$0xFFFFF050] =	vst v15;
	v58 =	vld.idx.msk [tilespmem:v55+s23+$0x0], $0xffff  }
0x1bf: {  	v59 =	vadd.s32 $0x6000, v7;
	v60 =	vld.idx.msk [tilespmem:v56+s23+$0x0], $0xffff;
	[tilespmem:s10+$0xFFFFF010] =	vst v11  }
0x1c0: {  	v61 =	vadd.s32 $0x6000, v6;
	v57 =	vld.idx.msk [tilespmem:v53+s23+$0x0], $0xffff  }
0x1c1: {  	[tilespmem:s9+$0x1010] =	vst v5;
	v3 =	vadd.s32 $0x6000, v3  }
0x1c2: {  	[tilespmem:s10+$0x70] =	vst v9  }
0x1c3: {  	v2 =	vld.idx.msk [tilespmem:v2+s23+$0x0], $0xffff;
	[tilespmem:s10+$0x30] =	vst v58  }
0x1c4: {  	v62 =	vld.idx.msk [tilespmem:v59+s23+$0x0], $0xffff;
	[tilespmem:s10+$0x50] =	vst v60  }
0x1c5: {  	v63 =	vld.idx.msk [tilespmem:v61+s23+$0x0], $0xffff;
	[tilespmem:s10+$0x10] =	vst v57  }
0x1c6: {  	[tilespmem:s9+$0x1030] =	vst v4;
	v3 =	vld.idx.msk [tilespmem:v3+s23+$0x0], $0xffff  }
0x1c7: {  	[tilespmem:s9+$0x1050] =	vst v8  }
0x1c8: {  	s24 =	sshll.u32 s8, $0xF;
	[tilespmem:s10+$0x1070] =	vst v2  }
0x1c9: {  	s26 =	sadd.s32 s16, s24;
	[tilespmem:s10+$0x1030] =	vst v62  }
0x1ca: {  	s9 =	sshrl.u32 s26, $0x3;
	[tilespmem:s10+$0x1050] =	vst v63  }
0x1cb: {  	s9 =	sadd.s32 s4, s9;
	[tilespmem:s10+$0x1010] =	vst v3  }
0x1cc: {  	[hbm4b:s9+s21] =	stream.strided.scatter [tilespmem:s1], [sflag:$0x2], $0x1000, s22, s21, $0x38;
	[tilespmem:$0x1BD00] =	vst v63  }
0x1cd: {  	s28 =	sadd.s32 s17, s24;
	_ =	swait.ge [sflag:s29], $0x1000  }
0x1ce: {  	s9 =	sshrl.u32 s28, $0x3;
	[sflag:s29] =	ssyncset.done $0x0  }
0x1cf: {  	s9 =	sadd.s32 s4, s9;
	[sflag:s29] =	ssyncadd.s32 $0xFFFFF000  }
0x1d0: {  	[hbm4b:s9+s21] =	stream.strided.scatter [tilespmem:s25], [sflag:$0x2], $0x1000, s22, s21, $0x38;
	[tilespmem:$0x1BD00] =	vst v63  }
0x1d1: {  	s31 =	sadd.s32 s18, s24;
	_ =	swait.ge [sflag:s29], $0x1000  }
0x1d2: {  	s9 =	sshrl.u32 s31, $0x3;
	[sflag:s29] =	ssyncset.done $0x0  }
0x1d3: {  	s9 =	sadd.s32 s4, s9;
	[sflag:s29] =	ssyncadd.s32 $0xFFFFF000  }
0x1d4: {  	[hbm4b:s9+s21] =	stream.strided.scatter [tilespmem:s0], [sflag:$0x2], $0x1000, s22, s21, $0x38;
	[tilespmem:$0x1BD00] =	vst v63  }
0x1d5: {  	s8 =	sadd.s32 $0x1, s8;
	s5 =	sadd.s32 s19, s24;
	_ =	swait.ge [sflag:s29], $0x1000  }
0x1d6: {  	p0 =	sne.s32 s8, $0x8;
	s5 =	sshrl.u32 s5, $0x3;
	[sflag:s29] =	ssyncset.done $0x0  }
.Ltmp4:
0x1d7: {  	s5 =	sadd.s32 s4, s5;
	[sflag:s29] =	ssyncadd.s32 $0xFFFFF000;
	(pc) =	sbr.rel @p0 .LBB2_8-.Ltmp4, $4  }
0x1d8: {  	[hbm4b:s5+s21] =	stream.strided.scatter [tilespmem:s2], [sflag:$0x2], $0x1000, s22, s21, $0x38;
	[tilespmem:$0x1BD00] =	vst v63  }
0x1d9: {  	_ =	swait.ge [sflag:s29], $0x1000  }
0x1da: {  	[sflag:s29] =	ssyncset.done $0x0  }
0x1db: {  	s6 =	sadd.s32 $0x1000, s6;
	s7 =	sadd.s32 $0x1000, s7;
	[sflag:s29] =	ssyncadd.s32 $0xFFFFF000  }
0x1dc: {  	s6 =	rddreg [dreg:$0x11]  }
0x1dd: {  	s5 =	rddreg [dreg:$0x10];
	s6 =	sadd.s32 $0x1, s6  }
0x1de: {  	p0 =	sne.s32 s6, s5  }
.Ltmp5:
0x1df: {  	_ = 	snop;
	(pc) =	sbr.rel @p0 .LBB2_1-.Ltmp5, $2  }
0x1e0: {  	_ =	sdelay $0x2  }
0x1e1: {  	s24 =	simm.s32 $0x6C00  }
0x1e2: {  	_ =	sfence.sel $0x180000  }
0x1e3: {  	[bflag:$0x0] =	sbarrier.arrive $0xFFFF  }
0x1e4: {  	_ =	strace $0x90000047  }
0x1e5: {  	s0 =	stileid.u32;
	[bflag:$0x2] =	sbarrier.arrive $0xFFFF  }
0x1e6: {  	p0 =	sne.s32 s0, $0x0;
	s0 =	rddreg [dreg:$0x5]  }
0x1e7: {  	s0 =	sadd.s32 @!p0 $0x100000, s0  }
0x1e8: {  	[sflag:s0] =	ssyncadd.tile.s32 @!p0 $0x1;
	_ =	shalt  }
.Lfunc_end2:
_tile_overlayer_lowered:
.L_overlay_start_2:
0x1e9: {  	(tag) =	ssettag $0x2  }
0x1ea: {  	s0 =	rddreg [dreg:$0x0];
	s2 =	stileid.u32  }
0x1eb: {  	s1 =	rddreg [dreg:$0x1];
	p0 =	sne.s32 s2, $0x0  }
0x1ec: {  	s3 =	rddreg [dreg:$0x2];
	[bflag:$0x3] =	sbarrier.arrive $0xFFFF;
	s2 =	simm.s32 @!p0 $0x1C02  }
0x1ed: {  	[timem:s3], [sflag:s2] =	dma.local @!p0 [hbm:s0], s1  }
0x1ee: {  	s0 =	simm.s32 @!p0 $0x2  }
0x1ef: {  	_ =	swait.ge @!p0 [sflag:s0], s1  }
0x1f0: {  	s1 =	ssub.s32 @!p0 $0x0, s1;
	[sflag:s0] =	ssyncset.done @!p0 $0x0  }
0x1f1: {  	[sflag:s0] =	ssyncadd.s32 @!p0 s1  }
0x1f2: {  	[bflag:$0x3] =	sbarrier.arrive $0xFFFF  }
0x1f3: {  	_ =	shalt  }

</sc_bundles>
